<compile_context>
chip_gen: v7x
topology: tpu7x:2x2x1
jax: 0.10.2.dev20260603
libtpu: 0.0.44.dev20260713+nightly
codegen_flags: <defaults>
</compile_context>

<pallas_src>
import jax
import jax.numpy as jnp
from jax import lax
from jax.experimental import pallas as pl
from jax.experimental.pallas import tpu as pltpu
from jax.experimental.pallas import tpu_sc as plsc

BATCH = 16384
NUM_FIELDS = 26
FIELD_DIM = 38462
NC = 2
NS = 16
L = 16
BH = BATCH // NC
BT = BH // NS
GI = BH // L


def _body(xT, tab, bias_in, out, tab1_v, tab2_v, idx1_v, idx2_v, part_v,
          red_v, out_v, bias_v, stage, sem1, sem2):
    c = lax.axis_index("c")
    s = lax.axis_index("s")
    base_b = c * BH
    two = s + NS < NUM_FIELDS
    f1 = s
    f2 = jnp.where(two, s + NS, s)

    d1t = pltpu.async_copy(tab.at[f1], tab1_v, sem1)
    d1i = pltpu.async_copy(xT.at[f1, pl.ds(base_b, BH)], idx1_v, sem1)
    d1b = pltpu.async_copy(bias_in, bias_v.at[pl.ds(0, 1)], sem1)

    @pl.when(two)
    def _():
        pltpu.async_copy(tab.at[f2], tab2_v, sem2)
        pltpu.async_copy(xT.at[f2, pl.ds(base_b, BH)], idx2_v, sem2)

    d1t.wait()
    d1i.wait()
    d1b.wait()

    @pl.loop(0, GI, unroll=8)
    def _g1(i):
        off = i * L
        ids = idx1_v[pl.ds(off, L)]
        part_v[pl.ds(off, L)] = plsc.load_gather(tab1_v, [ids])

    @pl.when(two)
    def _():
        pltpu.make_async_copy(tab.at[f2], tab2_v, sem2).wait()
        pltpu.make_async_copy(xT.at[f2, pl.ds(base_b, BH)], idx2_v,
                              sem2).wait()

        @pl.loop(0, GI, unroll=8)
        def _g2(i):
            off = i * L
            ids = idx2_v[pl.ds(off, L)]
            v = plsc.load_gather(tab2_v, [ids])
            part_v[pl.ds(off, L)] = part_v[pl.ds(off, L)] + v

    pltpu.sync_copy(part_v, stage.at[s])
    plsc.subcore_barrier()
    pltpu.sync_copy(stage.at[:, pl.ds(s * BT, BT)], red_v)
    b0 = bias_v[pl.ds(0, L)][0]

    @pl.loop(0, BT // L, unroll=4)
    def _reduce(i):
        off = i * L
        acc = red_v[0, pl.ds(off, L)] + b0
        for j in range(1, NS):
            acc = acc + red_v[j, pl.ds(off, L)]
        out_v[pl.ds(off, L)] = acc

    pltpu.sync_copy(out_v, out.at[pl.ds(base_b + s * BT, BT)])


@jax.jit
def _launch(xT, tab, bias):
    mesh = plsc.VectorSubcoreMesh(core_axis_name="c", subcore_axis_name="s")
    return pl.kernel(
        _body,
        out_type=jax.ShapeDtypeStruct((BATCH,), jnp.float32),
        mesh=mesh,
        compiler_params=pltpu.CompilerParams(
            use_tc_tiling_on_sc=False, needs_layout_passes=False
        ),
        scratch_types=[
            pltpu.VMEM((FIELD_DIM,), jnp.float32),
            pltpu.VMEM((FIELD_DIM,), jnp.float32),
            pltpu.VMEM((BH,), jnp.int32),
            pltpu.VMEM((BH,), jnp.int32),
            pltpu.VMEM((BH,), jnp.float32),
            pltpu.VMEM((NS, BT), jnp.float32),
            pltpu.VMEM((BT,), jnp.float32),
            pltpu.VMEM((L,), jnp.float32),
            pltpu.VMEM_SHARED((NS, BH), jnp.float32),
            pltpu.SemaphoreType.DMA,
            pltpu.SemaphoreType.DMA,
        ],
    )(xT, tab, bias)


def kernel(x, fc_weight, bias):
    xT = x.T
    tab = fc_weight.reshape(NUM_FIELDS, FIELD_DIM)
    out = _launch(xT, tab, bias)
    return out.reshape(BATCH, 1)

# --- scband reference (transcript-rebuilt; emitter-appended) ---
"""Pipeline reference for scband-features-linear-74826920231317 (READ-ONLY COPY).

The authoritative reference and input builder live on the scoring server;
editing this copy changes nothing except your own understanding.
"""

import jax, jax.numpy as jnp
import numpy as np

FIELD_DIMS = [38462] * 26
TOTAL_VOCAB = int(sum(FIELD_DIMS))  # 1000012
OFFSETS = jnp.asarray(np.array((0, *np.cumsum(FIELD_DIMS)[:-1]), dtype=np.int32))
BATCH = 16384
NUM_FIELDS = 26
OUTPUT_DIM = 1


def setup_inputs(seed: int = 0) -> dict:
    key = jax.random.key(seed)
    k1, k2 = jax.random.split(key, 2)
    x = jax.random.randint(k1, (BATCH, NUM_FIELDS), 0, FIELD_DIMS[0], dtype=jnp.int32)
    fc_weight = jax.random.normal(k2, (TOTAL_VOCAB, OUTPUT_DIM), dtype=jnp.float32) * 0.01
    bias = jnp.zeros((OUTPUT_DIM,), dtype=jnp.float32)
    return {"x": x, "fc_weight": fc_weight, "bias": bias}


def reference(x, fc_weight, bias):
    # x: int[batch, num_fields] per-field indices
    idx = x + OFFSETS[None, :]              # offset into fused table
    emb = jnp.take(fc_weight, idx, axis=0)  # [batch, num_fields, output_dim]
    return jnp.sum(emb, axis=1) + bias      # [batch, output_dim]

if __name__ == "__main__":
    import jax
    _d = setup_inputs()
    print(jax.jit(kernel)(*tuple(_d.values())))

</pallas_src>

<mosaic_0001>
#map = affine_map<(d0, d1) -> (0, 0)>
#map1 = affine_map<(d0, d1) -> (0)>
module attributes {stable_mosaic.version = 14 : i64} {
  func.func @_body(%arg0: i32, %arg1: i32, %arg2: memref<26x16384xi32, #tpu.memory_space<hbm>>, %arg3: memref<26x38462xf32, #tpu.memory_space<hbm>>, %arg4: memref<1xf32, #tpu.memory_space<hbm>>, %arg5: memref<16384xf32, #tpu.memory_space<hbm>>, %arg6: memref<38462xf32, #tpu.memory_space<vmem>>, %arg7: memref<38462xf32, #tpu.memory_space<vmem>>, %arg8: memref<8192xi32, #tpu.memory_space<vmem>>, %arg9: memref<8192xi32, #tpu.memory_space<vmem>>, %arg10: memref<8192xf32, #tpu.memory_space<vmem>>, %arg11: memref<16x512xf32, #tpu.memory_space<vmem>>, %arg12: memref<512xf32, #tpu.memory_space<vmem>>, %arg13: memref<16xf32, #tpu.memory_space<vmem>>, %arg14: memref<16x8192xf32, #tpu.memory_space<vmem_shared>>, %arg15: memref<!tpu.dma_semaphore, #tpu.memory_space<semaphore_mem>>, %arg16: memref<!tpu.dma_semaphore, #tpu.memory_space<semaphore_mem>>) attributes {dimension_semantics = [#tpu.dimension_semantics<core_parallel>, #tpu.dimension_semantics<subcore_parallel>], iteration_bounds = array<i64: 2, 16>, scalar_prefetch = 0 : i64, scratch_operands = 11 : i64, tpu.core_type = #tpu.core_type<sc_vector_subcore>, window_params = [{transform_indices = #map}, {transform_indices = #map}, {transform_indices = #map1}, {transform_indices = #map1}]} {
    %mul3A = arith.constant 8192 : i32
    %mul3A_0 = arith.muli %arg0, %mul3A : i32
    %add3A = arith.constant 16 : i32
    %add3A_1 = arith.addi %arg1, %add3A : i32
    %lt3A = arith.constant 26 : i32
    %lt3A_2 = arith.cmpi slt, %add3A_1, %lt3A : i32
    %add3A_3 = arith.constant 16 : i32
    %add3A_4 = arith.addi %arg1, %add3A_3 : i32
    %select_n3A = arith.select %lt3A_2, %add3A_4, %arg1 : i32
    %dma_start3A = arith.constant 0 : i32
    %dma_start3A_5 = tpu.memref_slice %arg3[%arg1, %dma_start3A] : memref<26x38462xf32, #tpu.memory_space<hbm>> -> memref<1x38462xf32, #tpu.memory_space<hbm>>
    %dma_start3A_6 = tpu.memref_squeeze %dma_start3A_5 : memref<1x38462xf32, #tpu.memory_space<hbm>> -> memref<38462xf32, #tpu.memory_space<hbm>>
    %dma_start3A_7 = arith.constant 0 : i32
    %dma_start3A_8 = tpu.memref_slice %arg3[%arg1, %dma_start3A_7] : memref<26x38462xf32, #tpu.memory_space<hbm>> -> memref<1x38462xf32, #tpu.memory_space<hbm>>
    %dma_start3A_9 = tpu.memref_squeeze %dma_start3A_8 : memref<1x38462xf32, #tpu.memory_space<hbm>> -> memref<38462xf32, #tpu.memory_space<hbm>>
    tpu.enqueue_dma source(%dma_start3A_9 : memref<38462xf32, #tpu.memory_space<hbm>>) target(%arg6 : memref<38462xf32, #tpu.memory_space<vmem>>) target_semaphore(%arg15 : memref<!tpu.dma_semaphore, #tpu.memory_space<semaphore_mem>>)
    %dma_start3A_10 = tpu.memref_slice %arg2[%arg1, %mul3A_0] : memref<26x16384xi32, #tpu.memory_space<hbm>> -> memref<1x8192xi32, #tpu.memory_space<hbm>>
    %dma_start3A_11 = tpu.memref_squeeze %dma_start3A_10 : memref<1x8192xi32, #tpu.memory_space<hbm>> -> memref<8192xi32, #tpu.memory_space<hbm>>
    %dma_start3A_12 = tpu.memref_slice %arg2[%arg1, %mul3A_0] : memref<26x16384xi32, #tpu.memory_space<hbm>> -> memref<1x8192xi32, #tpu.memory_space<hbm>>
    %dma_start3A_13 = tpu.memref_squeeze %dma_start3A_12 : memref<1x8192xi32, #tpu.memory_space<hbm>> -> memref<8192xi32, #tpu.memory_space<hbm>>
    tpu.enqueue_dma source(%dma_start3A_13 : memref<8192xi32, #tpu.memory_space<hbm>>) target(%arg8 : memref<8192xi32, #tpu.memory_space<vmem>>) target_semaphore(%arg15 : memref<!tpu.dma_semaphore, #tpu.memory_space<semaphore_mem>>)
    %dma_start3A_14 = arith.constant 0 : i32
    %dma_start3A_15 = tpu.memref_slice %arg13[%dma_start3A_14] : memref<16xf32, #tpu.memory_space<vmem>> -> memref<1xf32, #tpu.memory_space<vmem>>
    %dma_start3A_16 = arith.constant 0 : i32
    %dma_start3A_17 = tpu.memref_slice %arg13[%dma_start3A_16] : memref<16xf32, #tpu.memory_space<vmem>> -> memref<1xf32, #tpu.memory_space<vmem>>
    tpu.enqueue_dma source(%arg4 : memref<1xf32, #tpu.memory_space<hbm>>) target(%dma_start3A_17 : memref<1xf32, #tpu.memory_space<vmem>>) target_semaphore(%arg15 : memref<!tpu.dma_semaphore, #tpu.memory_space<semaphore_mem>>)
    %convert_element_type3A = arith.extui %lt3A_2 : i1 to i32
    %cond3A = arith.constant 0 : i32
    %cond3A_18 = arith.cmpi ne, %convert_element_type3A, %cond3A : i32
    scf.if %cond3A_18 {
      %dma_start3A_50 = arith.constant 0 : i32
      %dma_start3A_51 = tpu.memref_slice %arg3[%select_n3A, %dma_start3A_50] : memref<26x38462xf32, #tpu.memory_space<hbm>> -> memref<1x38462xf32, #tpu.memory_space<hbm>>
      %dma_start3A_52 = tpu.memref_squeeze %dma_start3A_51 : memref<1x38462xf32, #tpu.memory_space<hbm>> -> memref<38462xf32, #tpu.memory_space<hbm>>
      %dma_start3A_53 = arith.constant 0 : i32
      %dma_start3A_54 = tpu.memref_slice %arg3[%select_n3A, %dma_start3A_53] : memref<26x38462xf32, #tpu.memory_space<hbm>> -> memref<1x38462xf32, #tpu.memory_space<hbm>>
      %dma_start3A_55 = tpu.memref_squeeze %dma_start3A_54 : memref<1x38462xf32, #tpu.memory_space<hbm>> -> memref<38462xf32, #tpu.memory_space<hbm>>
      tpu.enqueue_dma source(%dma_start3A_55 : memref<38462xf32, #tpu.memory_space<hbm>>) target(%arg7 : memref<38462xf32, #tpu.memory_space<vmem>>) target_semaphore(%arg16 : memref<!tpu.dma_semaphore, #tpu.memory_space<semaphore_mem>>)
      %dma_start3A_56 = tpu.memref_slice %arg2[%select_n3A, %mul3A_0] : memref<26x16384xi32, #tpu.memory_space<hbm>> -> memref<1x8192xi32, #tpu.memory_space<hbm>>
      %dma_start3A_57 = tpu.memref_squeeze %dma_start3A_56 : memref<1x8192xi32, #tpu.memory_space<hbm>> -> memref<8192xi32, #tpu.memory_space<hbm>>
      %dma_start3A_58 = tpu.memref_slice %arg2[%select_n3A, %mul3A_0] : memref<26x16384xi32, #tpu.memory_space<hbm>> -> memref<1x8192xi32, #tpu.memory_space<hbm>>
      %dma_start3A_59 = tpu.memref_squeeze %dma_start3A_58 : memref<1x8192xi32, #tpu.memory_space<hbm>> -> memref<8192xi32, #tpu.memory_space<hbm>>
      tpu.enqueue_dma source(%dma_start3A_59 : memref<8192xi32, #tpu.memory_space<hbm>>) target(%arg9 : memref<8192xi32, #tpu.memory_space<vmem>>) target_semaphore(%arg16 : memref<!tpu.dma_semaphore, #tpu.memory_space<semaphore_mem>>)
    } else {
    }
    %dma_wait3A = arith.constant 0 : i32
    %dma_wait3A_19 = tpu.memref_slice %arg3[%arg1, %dma_wait3A] : memref<26x38462xf32, #tpu.memory_space<hbm>> -> memref<1x38462xf32, #tpu.memory_space<hbm>>
    %dma_wait3A_20 = tpu.memref_squeeze %dma_wait3A_19 : memref<1x38462xf32, #tpu.memory_space<hbm>> -> memref<38462xf32, #tpu.memory_space<hbm>>
    %dma_wait3A_21 = arith.constant 0 : i32
    %dma_wait3A_22 = tpu.memref_slice %arg3[%arg1, %dma_wait3A_21] : memref<26x38462xf32, #tpu.memory_space<hbm>> -> memref<1x38462xf32, #tpu.memory_space<hbm>>
    %dma_wait3A_23 = tpu.memref_squeeze %dma_wait3A_22 : memref<1x38462xf32, #tpu.memory_space<hbm>> -> memref<38462xf32, #tpu.memory_space<hbm>>
    tpu.wait_dma2 semaphore(%arg15 : memref<!tpu.dma_semaphore, #tpu.memory_space<semaphore_mem>>) src(%dma_wait3A_23 : memref<38462xf32, #tpu.memory_space<hbm>>) dst(%arg6 : memref<38462xf32, #tpu.memory_space<vmem>>)
    %dma_wait3A_24 = tpu.memref_slice %arg2[%arg1, %mul3A_0] : memref<26x16384xi32, #tpu.memory_space<hbm>> -> memref<1x8192xi32, #tpu.memory_space<hbm>>
    %dma_wait3A_25 = tpu.memref_squeeze %dma_wait3A_24 : memref<1x8192xi32, #tpu.memory_space<hbm>> -> memref<8192xi32, #tpu.memory_space<hbm>>
    %dma_wait3A_26 = tpu.memref_slice %arg2[%arg1, %mul3A_0] : memref<26x16384xi32, #tpu.memory_space<hbm>> -> memref<1x8192xi32, #tpu.memory_space<hbm>>
    %dma_wait3A_27 = tpu.memref_squeeze %dma_wait3A_26 : memref<1x8192xi32, #tpu.memory_space<hbm>> -> memref<8192xi32, #tpu.memory_space<hbm>>
    tpu.wait_dma2 semaphore(%arg15 : memref<!tpu.dma_semaphore, #tpu.memory_space<semaphore_mem>>) src(%dma_wait3A_27 : memref<8192xi32, #tpu.memory_space<hbm>>) dst(%arg8 : memref<8192xi32, #tpu.memory_space<vmem>>)
    %dma_wait3A_28 = arith.constant 0 : i32
    %dma_wait3A_29 = tpu.memref_slice %arg13[%dma_wait3A_28] : memref<16xf32, #tpu.memory_space<vmem>> -> memref<1xf32, #tpu.memory_space<vmem>>
    %dma_wait3A_30 = arith.constant 0 : i32
    %dma_wait3A_31 = tpu.memref_slice %arg13[%dma_wait3A_30] : memref<16xf32, #tpu.memory_space<vmem>> -> memref<1xf32, #tpu.memory_space<vmem>>
    tpu.wait_dma2 semaphore(%arg15 : memref<!tpu.dma_semaphore, #tpu.memory_space<semaphore_mem>>) src(%arg4 : memref<1xf32, #tpu.memory_space<hbm>>) dst(%dma_wait3A_31 : memref<1xf32, #tpu.memory_space<vmem>>)
    %scan3A = arith.constant 0 : i32
    %scan3A_32 = arith.constant 512 : i32
    %scan3A_33 = arith.addi %scan3A, %scan3A_32 : i32
    %scan3A_34 = arith.constant 8 : i32
    scf.for %scan3A_50 = %scan3A to %scan3A_33 step %scan3A_34  : i32 {
      %mul3A_51 = arith.constant 1 : i32
      %mul3A_52 = arith.muli %scan3A_50, %mul3A_51 : i32
      %add3A_53 = arith.constant 0 : i32
      %add3A_54 = arith.addi %add3A_53, %mul3A_52 : i32
      %mul3A_55 = arith.constant 16 : i32
      %mul3A_56 = arith.muli %add3A_54, %mul3A_55 : i32
      %get3A_57 = arith.index_cast %mul3A_56 : i32 to index
      %get3A_58 = tpu.vector_load %arg8[%get3A_57] {strides = array<i32>} : memref<8192xi32, #tpu.memory_space<vmem>>, vector<16xi32>,
      %gather3A = tpu.vector_load_idx %arg6[%get3A_58] : memref<38462xf32, #tpu.memory_space<vmem>>[vector<16xi32>], vector<16xf32>,
      %swap3A = arith.index_cast %mul3A_56 : i32 to index
      %swap3A_59 = tpu.vector_load %arg10[%swap3A] {strides = array<i32>} : memref<8192xf32, #tpu.memory_space<vmem>>, vector<16xf32>,
      tpu.vector_store %arg10[%swap3A], %gather3A {strides = array<i32>} : memref<8192xf32, #tpu.memory_space<vmem>>, vector<16xf32>,
      %scan3A_60 = arith.constant 1 : i32
      %scan3A_61 = arith.addi %scan3A_50, %scan3A_60 : i32
      %mul3A_62 = arith.constant 1 : i32
      %mul3A_63 = arith.muli %scan3A_61, %mul3A_62 : i32
      %add3A_64 = arith.constant 0 : i32
      %add3A_65 = arith.addi %add3A_64, %mul3A_63 : i32
      %mul3A_66 = arith.constant 16 : i32
      %mul3A_67 = arith.muli %add3A_65, %mul3A_66 : i32
      %get3A_68 = arith.index_cast %mul3A_67 : i32 to index
      %get3A_69 = tpu.vector_load %arg8[%get3A_68] {strides = array<i32>} : memref<8192xi32, #tpu.memory_space<vmem>>, vector<16xi32>,
      %gather3A_70 = tpu.vector_load_idx %arg6[%get3A_69] : memref<38462xf32, #tpu.memory_space<vmem>>[vector<16xi32>], vector<16xf32>,
      %swap3A_71 = arith.index_cast %mul3A_67 : i32 to index
      %swap3A_72 = tpu.vector_load %arg10[%swap3A_71] {strides = array<i32>} : memref<8192xf32, #tpu.memory_space<vmem>>, vector<16xf32>,
      tpu.vector_store %arg10[%swap3A_71], %gather3A_70 {strides = array<i32>} : memref<8192xf32, #tpu.memory_space<vmem>>, vector<16xf32>,
      %scan3A_73 = arith.constant 2 : i32
      %scan3A_74 = arith.addi %scan3A_50, %scan3A_73 : i32
      %mul3A_75 = arith.constant 1 : i32
      %mul3A_76 = arith.muli %scan3A_74, %mul3A_75 : i32
      %add3A_77 = arith.constant 0 : i32
      %add3A_78 = arith.addi %add3A_77, %mul3A_76 : i32
      %mul3A_79 = arith.constant 16 : i32
      %mul3A_80 = arith.muli %add3A_78, %mul3A_79 : i32
      %get3A_81 = arith.index_cast %mul3A_80 : i32 to index
      %get3A_82 = tpu.vector_load %arg8[%get3A_81] {strides = array<i32>} : memref<8192xi32, #tpu.memory_space<vmem>>, vector<16xi32>,
      %gather3A_83 = tpu.vector_load_idx %arg6[%get3A_82] : memref<38462xf32, #tpu.memory_space<vmem>>[vector<16xi32>], vector<16xf32>,
      %swap3A_84 = arith.index_cast %mul3A_80 : i32 to index
      %swap3A_85 = tpu.vector_load %arg10[%swap3A_84] {strides = array<i32>} : memref<8192xf32, #tpu.memory_space<vmem>>, vector<16xf32>,
      tpu.vector_store %arg10[%swap3A_84], %gather3A_83 {strides = array<i32>} : memref<8192xf32, #tpu.memory_space<vmem>>, vector<16xf32>,
      %scan3A_86 = arith.constant 3 : i32
      %scan3A_87 = arith.addi %scan3A_50, %scan3A_86 : i32
      %mul3A_88 = arith.constant 1 : i32
      %mul3A_89 = arith.muli %scan3A_87, %mul3A_88 : i32
      %add3A_90 = arith.constant 0 : i32
      %add3A_91 = arith.addi %add3A_90, %mul3A_89 : i32
      %mul3A_92 = arith.constant 16 : i32
      %mul3A_93 = arith.muli %add3A_91, %mul3A_92 : i32
      %get3A_94 = arith.index_cast %mul3A_93 : i32 to index
      %get3A_95 = tpu.vector_load %arg8[%get3A_94] {strides = array<i32>} : memref<8192xi32, #tpu.memory_space<vmem>>, vector<16xi32>,
      %gather3A_96 = tpu.vector_load_idx %arg6[%get3A_95] : memref<38462xf32, #tpu.memory_space<vmem>>[vector<16xi32>], vector<16xf32>,
      %swap3A_97 = arith.index_cast %mul3A_93 : i32 to index
      %swap3A_98 = tpu.vector_load %arg10[%swap3A_97] {strides = array<i32>} : memref<8192xf32, #tpu.memory_space<vmem>>, vector<16xf32>,
      tpu.vector_store %arg10[%swap3A_97], %gather3A_96 {strides = array<i32>} : memref<8192xf32, #tpu.memory_space<vmem>>, vector<16xf32>,
      %scan3A_99 = arith.constant 4 : i32
      %scan3A_100 = arith.addi %scan3A_50, %scan3A_99 : i32
      %mul3A_101 = arith.constant 1 : i32
      %mul3A_102 = arith.muli %scan3A_100, %mul3A_101 : i32
      %add3A_103 = arith.constant 0 : i32
      %add3A_104 = arith.addi %add3A_103, %mul3A_102 : i32
      %mul3A_105 = arith.constant 16 : i32
      %mul3A_106 = arith.muli %add3A_104, %mul3A_105 : i32
      %get3A_107 = arith.index_cast %mul3A_106 : i32 to index
      %get3A_108 = tpu.vector_load %arg8[%get3A_107] {strides = array<i32>} : memref<8192xi32, #tpu.memory_space<vmem>>, vector<16xi32>,
      %gather3A_109 = tpu.vector_load_idx %arg6[%get3A_108] : memref<38462xf32, #tpu.memory_space<vmem>>[vector<16xi32>], vector<16xf32>,
      %swap3A_110 = arith.index_cast %mul3A_106 : i32 to index
      %swap3A_111 = tpu.vector_load %arg10[%swap3A_110] {strides = array<i32>} : memref<8192xf32, #tpu.memory_space<vmem>>, vector<16xf32>,
      tpu.vector_store %arg10[%swap3A_110], %gather3A_109 {strides = array<i32>} : memref<8192xf32, #tpu.memory_space<vmem>>, vector<16xf32>,
      %scan3A_112 = arith.constant 5 : i32
      %scan3A_113 = arith.addi %scan3A_50, %scan3A_112 : i32
      %mul3A_114 = arith.constant 1 : i32
      %mul3A_115 = arith.muli %scan3A_113, %mul3A_114 : i32
      %add3A_116 = arith.constant 0 : i32
      %add3A_117 = arith.addi %add3A_116, %mul3A_115 : i32
      %mul3A_118 = arith.constant 16 : i32
      %mul3A_119 = arith.muli %add3A_117, %mul3A_118 : i32
      %get3A_120 = arith.index_cast %mul3A_119 : i32 to index
      %get3A_121 = tpu.vector_load %arg8[%get3A_120] {strides = array<i32>} : memref<8192xi32, #tpu.memory_space<vmem>>, vector<16xi32>,
      %gather3A_122 = tpu.vector_load_idx %arg6[%get3A_121] : memref<38462xf32, #tpu.memory_space<vmem>>[vector<16xi32>], vector<16xf32>,
      %swap3A_123 = arith.index_cast %mul3A_119 : i32 to index
      %swap3A_124 = tpu.vector_load %arg10[%swap3A_123] {strides = array<i32>} : memref<8192xf32, #tpu.memory_space<vmem>>, vector<16xf32>,
      tpu.vector_store %arg10[%swap3A_123], %gather3A_122 {strides = array<i32>} : memref<8192xf32, #tpu.memory_space<vmem>>, vector<16xf32>,
      %scan3A_125 = arith.constant 6 : i32
      %scan3A_126 = arith.addi %scan3A_50, %scan3A_125 : i32
      %mul3A_127 = arith.constant 1 : i32
      %mul3A_128 = arith.muli %scan3A_126, %mul3A_127 : i32
      %add3A_129 = arith.constant 0 : i32
      %add3A_130 = arith.addi %add3A_129, %mul3A_128 : i32
      %mul3A_131 = arith.constant 16 : i32
      %mul3A_132 = arith.muli %add3A_130, %mul3A_131 : i32
      %get3A_133 = arith.index_cast %mul3A_132 : i32 to index
      %get3A_134 = tpu.vector_load %arg8[%get3A_133] {strides = array<i32>} : memref<8192xi32, #tpu.memory_space<vmem>>, vector<16xi32>,
      %gather3A_135 = tpu.vector_load_idx %arg6[%get3A_134] : memref<38462xf32, #tpu.memory_space<vmem>>[vector<16xi32>], vector<16xf32>,
      %swap3A_136 = arith.index_cast %mul3A_132 : i32 to index
      %swap3A_137 = tpu.vector_load %arg10[%swap3A_136] {strides = array<i32>} : memref<8192xf32, #tpu.memory_space<vmem>>, vector<16xf32>,
      tpu.vector_store %arg10[%swap3A_136], %gather3A_135 {strides = array<i32>} : memref<8192xf32, #tpu.memory_space<vmem>>, vector<16xf32>,
      %scan3A_138 = arith.constant 7 : i32
      %scan3A_139 = arith.addi %scan3A_50, %scan3A_138 : i32
      %mul3A_140 = arith.constant 1 : i32
      %mul3A_141 = arith.muli %scan3A_139, %mul3A_140 : i32
      %add3A_142 = arith.constant 0 : i32
      %add3A_143 = arith.addi %add3A_142, %mul3A_141 : i32
      %mul3A_144 = arith.constant 16 : i32
      %mul3A_145 = arith.muli %add3A_143, %mul3A_144 : i32
      %get3A_146 = arith.index_cast %mul3A_145 : i32 to index
      %get3A_147 = tpu.vector_load %arg8[%get3A_146] {strides = array<i32>} : memref<8192xi32, #tpu.memory_space<vmem>>, vector<16xi32>,
      %gather3A_148 = tpu.vector_load_idx %arg6[%get3A_147] : memref<38462xf32, #tpu.memory_space<vmem>>[vector<16xi32>], vector<16xf32>,
      %swap3A_149 = arith.index_cast %mul3A_145 : i32 to index
      %swap3A_150 = tpu.vector_load %arg10[%swap3A_149] {strides = array<i32>} : memref<8192xf32, #tpu.memory_space<vmem>>, vector<16xf32>,
      tpu.vector_store %arg10[%swap3A_149], %gather3A_148 {strides = array<i32>} : memref<8192xf32, #tpu.memory_space<vmem>>, vector<16xf32>,
    }
    %scan3A_35 = arith.constant 512 : i32
    %convert_element_type3A_36 = arith.extui %lt3A_2 : i1 to i32
    %cond3A_37 = arith.constant 0 : i32
    %cond3A_38 = arith.cmpi ne, %convert_element_type3A_36, %cond3A_37 : i32
    scf.if %cond3A_38 {
      %dma_wait3A_50 = arith.constant 0 : i32
      %dma_wait3A_51 = tpu.memref_slice %arg3[%select_n3A, %dma_wait3A_50] : memref<26x38462xf32, #tpu.memory_space<hbm>> -> memref<1x38462xf32, #tpu.memory_space<hbm>>
      %dma_wait3A_52 = tpu.memref_squeeze %dma_wait3A_51 : memref<1x38462xf32, #tpu.memory_space<hbm>> -> memref<38462xf32, #tpu.memory_space<hbm>>
      %dma_wait3A_53 = arith.constant 0 : i32
      %dma_wait3A_54 = tpu.memref_slice %arg3[%select_n3A, %dma_wait3A_53] : memref<26x38462xf32, #tpu.memory_space<hbm>> -> memref<1x38462xf32, #tpu.memory_space<hbm>>
      %dma_wait3A_55 = tpu.memref_squeeze %dma_wait3A_54 : memref<1x38462xf32, #tpu.memory_space<hbm>> -> memref<38462xf32, #tpu.memory_space<hbm>>
      tpu.wait_dma2 semaphore(%arg16 : memref<!tpu.dma_semaphore, #tpu.memory_space<semaphore_mem>>) src(%dma_wait3A_55 : memref<38462xf32, #tpu.memory_space<hbm>>) dst(%arg7 : memref<38462xf32, #tpu.memory_space<vmem>>)
      %dma_wait3A_56 = tpu.memref_slice %arg2[%select_n3A, %mul3A_0] : memref<26x16384xi32, #tpu.memory_space<hbm>> -> memref<1x8192xi32, #tpu.memory_space<hbm>>
      %dma_wait3A_57 = tpu.memref_squeeze %dma_wait3A_56 : memref<1x8192xi32, #tpu.memory_space<hbm>> -> memref<8192xi32, #tpu.memory_space<hbm>>
      %dma_wait3A_58 = tpu.memref_slice %arg2[%select_n3A, %mul3A_0] : memref<26x16384xi32, #tpu.memory_space<hbm>> -> memref<1x8192xi32, #tpu.memory_space<hbm>>
      %dma_wait3A_59 = tpu.memref_squeeze %dma_wait3A_58 : memref<1x8192xi32, #tpu.memory_space<hbm>> -> memref<8192xi32, #tpu.memory_space<hbm>>
      tpu.wait_dma2 semaphore(%arg16 : memref<!tpu.dma_semaphore, #tpu.memory_space<semaphore_mem>>) src(%dma_wait3A_59 : memref<8192xi32, #tpu.memory_space<hbm>>) dst(%arg9 : memref<8192xi32, #tpu.memory_space<vmem>>)
      %scan3A_60 = arith.constant 0 : i32
      %scan3A_61 = arith.constant 512 : i32
      %scan3A_62 = arith.addi %scan3A_60, %scan3A_61 : i32
      %scan3A_63 = arith.constant 8 : i32
      scf.for %scan3A_65 = %scan3A_60 to %scan3A_62 step %scan3A_63  : i32 {
        %mul3A_66 = arith.constant 1 : i32
        %mul3A_67 = arith.muli %scan3A_65, %mul3A_66 : i32
        %add3A_68 = arith.constant 0 : i32
        %add3A_69 = arith.addi %add3A_68, %mul3A_67 : i32
        %mul3A_70 = arith.constant 16 : i32
        %mul3A_71 = arith.muli %add3A_69, %mul3A_70 : i32
        %get3A_72 = arith.index_cast %mul3A_71 : i32 to index
        %get3A_73 = tpu.vector_load %arg9[%get3A_72] {strides = array<i32>} : memref<8192xi32, #tpu.memory_space<vmem>>, vector<16xi32>,
        %gather3A = tpu.vector_load_idx %arg7[%get3A_73] : memref<38462xf32, #tpu.memory_space<vmem>>[vector<16xi32>], vector<16xf32>,
        %get3A_74 = arith.index_cast %mul3A_71 : i32 to index
        %get3A_75 = tpu.vector_load %arg10[%get3A_74] {strides = array<i32>} : memref<8192xf32, #tpu.memory_space<vmem>>, vector<16xf32>,
        %add3A_76 = arith.addf %get3A_75, %gather3A : vector<16xf32>
        %swap3A = arith.index_cast %mul3A_71 : i32 to index
        %swap3A_77 = tpu.vector_load %arg10[%swap3A] {strides = array<i32>} : memref<8192xf32, #tpu.memory_space<vmem>>, vector<16xf32>,
        tpu.vector_store %arg10[%swap3A], %add3A_76 {strides = array<i32>} : memref<8192xf32, #tpu.memory_space<vmem>>, vector<16xf32>,
        %scan3A_78 = arith.constant 1 : i32
        %scan3A_79 = arith.addi %scan3A_65, %scan3A_78 : i32
        %mul3A_80 = arith.constant 1 : i32
        %mul3A_81 = arith.muli %scan3A_79, %mul3A_80 : i32
        %add3A_82 = arith.constant 0 : i32
        %add3A_83 = arith.addi %add3A_82, %mul3A_81 : i32
        %mul3A_84 = arith.constant 16 : i32
        %mul3A_85 = arith.muli %add3A_83, %mul3A_84 : i32
        %get3A_86 = arith.index_cast %mul3A_85 : i32 to index
        %get3A_87 = tpu.vector_load %arg9[%get3A_86] {strides = array<i32>} : memref<8192xi32, #tpu.memory_space<vmem>>, vector<16xi32>,
        %gather3A_88 = tpu.vector_load_idx %arg7[%get3A_87] : memref<38462xf32, #tpu.memory_space<vmem>>[vector<16xi32>], vector<16xf32>,
        %get3A_89 = arith.index_cast %mul3A_85 : i32 to index
        %get3A_90 = tpu.vector_load %arg10[%get3A_89] {strides = array<i32>} : memref<8192xf32, #tpu.memory_space<vmem>>, vector<16xf32>,
        %add3A_91 = arith.addf %get3A_90, %gather3A_88 : vector<16xf32>
        %swap3A_92 = arith.index_cast %mul3A_85 : i32 to index
        %swap3A_93 = tpu.vector_load %arg10[%swap3A_92] {strides = array<i32>} : memref<8192xf32, #tpu.memory_space<vmem>>, vector<16xf32>,
        tpu.vector_store %arg10[%swap3A_92], %add3A_91 {strides = array<i32>} : memref<8192xf32, #tpu.memory_space<vmem>>, vector<16xf32>,
        %scan3A_94 = arith.constant 2 : i32
        %scan3A_95 = arith.addi %scan3A_65, %scan3A_94 : i32
        %mul3A_96 = arith.constant 1 : i32
        %mul3A_97 = arith.muli %scan3A_95, %mul3A_96 : i32
        %add3A_98 = arith.constant 0 : i32
        %add3A_99 = arith.addi %add3A_98, %mul3A_97 : i32
        %mul3A_100 = arith.constant 16 : i32
        %mul3A_101 = arith.muli %add3A_99, %mul3A_100 : i32
        %get3A_102 = arith.index_cast %mul3A_101 : i32 to index
        %get3A_103 = tpu.vector_load %arg9[%get3A_102] {strides = array<i32>} : memref<8192xi32, #tpu.memory_space<vmem>>, vector<16xi32>,
        %gather3A_104 = tpu.vector_load_idx %arg7[%get3A_103] : memref<38462xf32, #tpu.memory_space<vmem>>[vector<16xi32>], vector<16xf32>,
        %get3A_105 = arith.index_cast %mul3A_101 : i32 to index
        %get3A_106 = tpu.vector_load %arg10[%get3A_105] {strides = array<i32>} : memref<8192xf32, #tpu.memory_space<vmem>>, vector<16xf32>,
        %add3A_107 = arith.addf %get3A_106, %gather3A_104 : vector<16xf32>
        %swap3A_108 = arith.index_cast %mul3A_101 : i32 to index
        %swap3A_109 = tpu.vector_load %arg10[%swap3A_108] {strides = array<i32>} : memref<8192xf32, #tpu.memory_space<vmem>>, vector<16xf32>,
        tpu.vector_store %arg10[%swap3A_108], %add3A_107 {strides = array<i32>} : memref<8192xf32, #tpu.memory_space<vmem>>, vector<16xf32>,
        %scan3A_110 = arith.constant 3 : i32
        %scan3A_111 = arith.addi %scan3A_65, %scan3A_110 : i32
        %mul3A_112 = arith.constant 1 : i32
        %mul3A_113 = arith.muli %scan3A_111, %mul3A_112 : i32
        %add3A_114 = arith.constant 0 : i32
        %add3A_115 = arith.addi %add3A_114, %mul3A_113 : i32
        %mul3A_116 = arith.constant 16 : i32
        %mul3A_117 = arith.muli %add3A_115, %mul3A_116 : i32
        %get3A_118 = arith.index_cast %mul3A_117 : i32 to index
        %get3A_119 = tpu.vector_load %arg9[%get3A_118] {strides = array<i32>} : memref<8192xi32, #tpu.memory_space<vmem>>, vector<16xi32>,
        %gather3A_120 = tpu.vector_load_idx %arg7[%get3A_119] : memref<38462xf32, #tpu.memory_space<vmem>>[vector<16xi32>], vector<16xf32>,
        %get3A_121 = arith.index_cast %mul3A_117 : i32 to index
        %get3A_122 = tpu.vector_load %arg10[%get3A_121] {strides = array<i32>} : memref<8192xf32, #tpu.memory_space<vmem>>, vector<16xf32>,
        %add3A_123 = arith.addf %get3A_122, %gather3A_120 : vector<16xf32>
        %swap3A_124 = arith.index_cast %mul3A_117 : i32 to index
        %swap3A_125 = tpu.vector_load %arg10[%swap3A_124] {strides = array<i32>} : memref<8192xf32, #tpu.memory_space<vmem>>, vector<16xf32>,
        tpu.vector_store %arg10[%swap3A_124], %add3A_123 {strides = array<i32>} : memref<8192xf32, #tpu.memory_space<vmem>>, vector<16xf32>,
        %scan3A_126 = arith.constant 4 : i32
        %scan3A_127 = arith.addi %scan3A_65, %scan3A_126 : i32
        %mul3A_128 = arith.constant 1 : i32
        %mul3A_129 = arith.muli %scan3A_127, %mul3A_128 : i32
        %add3A_130 = arith.constant 0 : i32
        %add3A_131 = arith.addi %add3A_130, %mul3A_129 : i32
        %mul3A_132 = arith.constant 16 : i32
        %mul3A_133 = arith.muli %add3A_131, %mul3A_132 : i32
        %get3A_134 = arith.index_cast %mul3A_133 : i32 to index
        %get3A_135 = tpu.vector_load %arg9[%get3A_134] {strides = array<i32>} : memref<8192xi32, #tpu.memory_space<vmem>>, vector<16xi32>,
        %gather3A_136 = tpu.vector_load_idx %arg7[%get3A_135] : memref<38462xf32, #tpu.memory_space<vmem>>[vector<16xi32>], vector<16xf32>,
        %get3A_137 = arith.index_cast %mul3A_133 : i32 to index
        %get3A_138 = tpu.vector_load %arg10[%get3A_137] {strides = array<i32>} : memref<8192xf32, #tpu.memory_space<vmem>>, vector<16xf32>,
        %add3A_139 = arith.addf %get3A_138, %gather3A_136 : vector<16xf32>
        %swap3A_140 = arith.index_cast %mul3A_133 : i32 to index
        %swap3A_141 = tpu.vector_load %arg10[%swap3A_140] {strides = array<i32>} : memref<8192xf32, #tpu.memory_space<vmem>>, vector<16xf32>,
        tpu.vector_store %arg10[%swap3A_140], %add3A_139 {strides = array<i32>} : memref<8192xf32, #tpu.memory_space<vmem>>, vector<16xf32>,
        %scan3A_142 = arith.constant 5 : i32
        %scan3A_143 = arith.addi %scan3A_65, %scan3A_142 : i32
        %mul3A_144 = arith.constant 1 : i32
        %mul3A_145 = arith.muli %scan3A_143, %mul3A_144 : i32
        %add3A_146 = arith.constant 0 : i32
        %add3A_147 = arith.addi %add3A_146, %mul3A_145 : i32
        %mul3A_148 = arith.constant 16 : i32
        %mul3A_149 = arith.muli %add3A_147, %mul3A_148 : i32
        %get3A_150 = arith.index_cast %mul3A_149 : i32 to index
        %get3A_151 = tpu.vector_load %arg9[%get3A_150] {strides = array<i32>} : memref<8192xi32, #tpu.memory_space<vmem>>, vector<16xi32>,
        %gather3A_152 = tpu.vector_load_idx %arg7[%get3A_151] : memref<38462xf32, #tpu.memory_space<vmem>>[vector<16xi32>], vector<16xf32>,
        %get3A_153 = arith.index_cast %mul3A_149 : i32 to index
        %get3A_154 = tpu.vector_load %arg10[%get3A_153] {strides = array<i32>} : memref<8192xf32, #tpu.memory_space<vmem>>, vector<16xf32>,
        %add3A_155 = arith.addf %get3A_154, %gather3A_152 : vector<16xf32>
        %swap3A_156 = arith.index_cast %mul3A_149 : i32 to index
        %swap3A_157 = tpu.vector_load %arg10[%swap3A_156] {strides = array<i32>} : memref<8192xf32, #tpu.memory_space<vmem>>, vector<16xf32>,
        tpu.vector_store %arg10[%swap3A_156], %add3A_155 {strides = array<i32>} : memref<8192xf32, #tpu.memory_space<vmem>>, vector<16xf32>,
        %scan3A_158 = arith.constant 6 : i32
        %scan3A_159 = arith.addi %scan3A_65, %scan3A_158 : i32
        %mul3A_160 = arith.constant 1 : i32
        %mul3A_161 = arith.muli %scan3A_159, %mul3A_160 : i32
        %add3A_162 = arith.constant 0 : i32
        %add3A_163 = arith.addi %add3A_162, %mul3A_161 : i32
        %mul3A_164 = arith.constant 16 : i32
        %mul3A_165 = arith.muli %add3A_163, %mul3A_164 : i32
        %get3A_166 = arith.index_cast %mul3A_165 : i32 to index
        %get3A_167 = tpu.vector_load %arg9[%get3A_166] {strides = array<i32>} : memref<8192xi32, #tpu.memory_space<vmem>>, vector<16xi32>,
        %gather3A_168 = tpu.vector_load_idx %arg7[%get3A_167] : memref<38462xf32, #tpu.memory_space<vmem>>[vector<16xi32>], vector<16xf32>,
        %get3A_169 = arith.index_cast %mul3A_165 : i32 to index
        %get3A_170 = tpu.vector_load %arg10[%get3A_169] {strides = array<i32>} : memref<8192xf32, #tpu.memory_space<vmem>>, vector<16xf32>,
        %add3A_171 = arith.addf %get3A_170, %gather3A_168 : vector<16xf32>
        %swap3A_172 = arith.index_cast %mul3A_165 : i32 to index
        %swap3A_173 = tpu.vector_load %arg10[%swap3A_172] {strides = array<i32>} : memref<8192xf32, #tpu.memory_space<vmem>>, vector<16xf32>,
        tpu.vector_store %arg10[%swap3A_172], %add3A_171 {strides = array<i32>} : memref<8192xf32, #tpu.memory_space<vmem>>, vector<16xf32>,
        %scan3A_174 = arith.constant 7 : i32
        %scan3A_175 = arith.addi %scan3A_65, %scan3A_174 : i32
        %mul3A_176 = arith.constant 1 : i32
        %mul3A_177 = arith.muli %scan3A_175, %mul3A_176 : i32
        %add3A_178 = arith.constant 0 : i32
        %add3A_179 = arith.addi %add3A_178, %mul3A_177 : i32
        %mul3A_180 = arith.constant 16 : i32
        %mul3A_181 = arith.muli %add3A_179, %mul3A_180 : i32
        %get3A_182 = arith.index_cast %mul3A_181 : i32 to index
        %get3A_183 = tpu.vector_load %arg9[%get3A_182] {strides = array<i32>} : memref<8192xi32, #tpu.memory_space<vmem>>, vector<16xi32>,
        %gather3A_184 = tpu.vector_load_idx %arg7[%get3A_183] : memref<38462xf32, #tpu.memory_space<vmem>>[vector<16xi32>], vector<16xf32>,
        %get3A_185 = arith.index_cast %mul3A_181 : i32 to index
        %get3A_186 = tpu.vector_load %arg10[%get3A_185] {strides = array<i32>} : memref<8192xf32, #tpu.memory_space<vmem>>, vector<16xf32>,
        %add3A_187 = arith.addf %get3A_186, %gather3A_184 : vector<16xf32>
        %swap3A_188 = arith.index_cast %mul3A_181 : i32 to index
        %swap3A_189 = tpu.vector_load %arg10[%swap3A_188] {strides = array<i32>} : memref<8192xf32, #tpu.memory_space<vmem>>, vector<16xf32>,
        tpu.vector_store %arg10[%swap3A_188], %add3A_187 {strides = array<i32>} : memref<8192xf32, #tpu.memory_space<vmem>>, vector<16xf32>,
      }
      %scan3A_64 = arith.constant 512 : i32
    } else {
    }
    "tpu.region"() ({
      %run_scoped3A = tpu.sem_alloc : memref<!tpu.dma_semaphore, #tpu.memory_space<semaphore_mem>>
      %dma_start3A_50 = arith.constant 0 : i32
      %dma_start3A_51 = tpu.memref_slice %arg14[%arg1, %dma_start3A_50] : memref<16x8192xf32, #tpu.memory_space<vmem_shared>> -> memref<1x8192xf32, #tpu.memory_space<vmem_shared>>
      %dma_start3A_52 = tpu.memref_squeeze %dma_start3A_51 : memref<1x8192xf32, #tpu.memory_space<vmem_shared>> -> memref<8192xf32, #tpu.memory_space<vmem_shared>>
      %dma_start3A_53 = arith.constant 0 : i32
      %dma_start3A_54 = tpu.memref_slice %arg14[%arg1, %dma_start3A_53] : memref<16x8192xf32, #tpu.memory_space<vmem_shared>> -> memref<1x8192xf32, #tpu.memory_space<vmem_shared>>
      %dma_start3A_55 = tpu.memref_squeeze %dma_start3A_54 : memref<1x8192xf32, #tpu.memory_space<vmem_shared>> -> memref<8192xf32, #tpu.memory_space<vmem_shared>>
      tpu.enqueue_dma source(%arg10 : memref<8192xf32, #tpu.memory_space<vmem>>) target(%dma_start3A_55 : memref<8192xf32, #tpu.memory_space<vmem_shared>>) target_semaphore(%run_scoped3A : memref<!tpu.dma_semaphore, #tpu.memory_space<semaphore_mem>>)
      %dma_wait3A_56 = arith.constant 0 : i32
      %dma_wait3A_57 = tpu.memref_slice %arg14[%arg1, %dma_wait3A_56] : memref<16x8192xf32, #tpu.memory_space<vmem_shared>> -> memref<1x8192xf32, #tpu.memory_space<vmem_shared>>
      %dma_wait3A_58 = tpu.memref_squeeze %dma_wait3A_57 : memref<1x8192xf32, #tpu.memory_space<vmem_shared>> -> memref<8192xf32, #tpu.memory_space<vmem_shared>>
      %dma_wait3A_59 = arith.constant 0 : i32
      %dma_wait3A_60 = tpu.memref_slice %arg14[%arg1, %dma_wait3A_59] : memref<16x8192xf32, #tpu.memory_space<vmem_shared>> -> memref<1x8192xf32, #tpu.memory_space<vmem_shared>>
      %dma_wait3A_61 = tpu.memref_squeeze %dma_wait3A_60 : memref<1x8192xf32, #tpu.memory_space<vmem_shared>> -> memref<8192xf32, #tpu.memory_space<vmem_shared>>
      tpu.wait_dma2 semaphore(%run_scoped3A : memref<!tpu.dma_semaphore, #tpu.memory_space<semaphore_mem>>) src(%arg10 : memref<8192xf32, #tpu.memory_space<vmem>>) dst(%dma_wait3A_61 : memref<8192xf32, #tpu.memory_space<vmem_shared>>)
      tpu.yield
    }) : () -> ()
    %barrier3A = arith.constant 0 : index
    tpu.barrier barrier_id(%barrier3A)
    %mul3A_39 = arith.constant 512 : i32
    %mul3A_40 = arith.muli %arg1, %mul3A_39 : i32
    "tpu.region"() ({
      %run_scoped3A = tpu.sem_alloc : memref<!tpu.dma_semaphore, #tpu.memory_space<semaphore_mem>>
      %dma_start3A_50 = arith.constant 0 : i32
      %dma_start3A_51 = tpu.memref_slice %arg14[%dma_start3A_50, %mul3A_40] : memref<16x8192xf32, #tpu.memory_space<vmem_shared>> -> memref<16x512xf32, #tpu.memory_space<vmem_shared>>
      %dma_start3A_52 = arith.constant 0 : i32
      %dma_start3A_53 = tpu.memref_slice %arg14[%dma_start3A_52, %mul3A_40] : memref<16x8192xf32, #tpu.memory_space<vmem_shared>> -> memref<16x512xf32, #tpu.memory_space<vmem_shared>>
      tpu.enqueue_dma source(%dma_start3A_53 : memref<16x512xf32, #tpu.memory_space<vmem_shared>>) target(%arg11 : memref<16x512xf32, #tpu.memory_space<vmem>>) target_semaphore(%run_scoped3A : memref<!tpu.dma_semaphore, #tpu.memory_space<semaphore_mem>>)
      %dma_wait3A_54 = arith.constant 0 : i32
      %dma_wait3A_55 = tpu.memref_slice %arg14[%dma_wait3A_54, %mul3A_40] : memref<16x8192xf32, #tpu.memory_space<vmem_shared>> -> memref<16x512xf32, #tpu.memory_space<vmem_shared>>
      %dma_wait3A_56 = arith.constant 0 : i32
      %dma_wait3A_57 = tpu.memref_slice %arg14[%dma_wait3A_56, %mul3A_40] : memref<16x8192xf32, #tpu.memory_space<vmem_shared>> -> memref<16x512xf32, #tpu.memory_space<vmem_shared>>
      tpu.wait_dma2 semaphore(%run_scoped3A : memref<!tpu.dma_semaphore, #tpu.memory_space<semaphore_mem>>) src(%dma_wait3A_57 : memref<16x512xf32, #tpu.memory_space<vmem_shared>>) dst(%arg11 : memref<16x512xf32, #tpu.memory_space<vmem>>)
      tpu.yield
    }) : () -> ()
    %get3A = arith.constant 0 : index
    %get3A_41 = tpu.vector_load %arg13[%get3A] {strides = array<i32>} : memref<16xf32, #tpu.memory_space<vmem>>, vector<16xf32>,
    %slice3A = vector.extract_strided_slice %get3A_41 {offsets = [0], sizes = [1], strides = [1]} : vector<16xf32> to vector<1xf32>
    %squeeze3A = vector.extract %slice3A[0] : f32 from vector<1xf32>
    %scan3A_42 = arith.constant 0 : i32
    %scan3A_43 = arith.constant 32 : i32
    %scan3A_44 = arith.addi %scan3A_42, %scan3A_43 : i32
    %scan3A_45 = arith.constant 4 : i32
    scf.for %scan3A_50 = %scan3A_42 to %scan3A_44 step %scan3A_45  : i32 {
      %mul3A_51 = arith.constant 1 : i32
      %mul3A_52 = arith.muli %scan3A_50, %mul3A_51 : i32
      %add3A_53 = arith.constant 0 : i32
      %add3A_54 = arith.addi %add3A_53, %mul3A_52 : i32
      %mul3A_55 = arith.constant 16 : i32
      %mul3A_56 = arith.muli %add3A_54, %mul3A_55 : i32
      %get3A_57 = arith.constant 0 : i32
      %get3A_58 = arith.index_cast %get3A_57 : i32 to index
      %get3A_59 = arith.index_cast %mul3A_56 : i32 to index
      %get3A_60 = tpu.vector_load %arg11[%get3A_58, %get3A_59] {strides = array<i32>} : memref<16x512xf32, #tpu.memory_space<vmem>>, vector<16xf32>,
      %add3A_61 = vector.broadcast %squeeze3A : f32 to vector<16xf32>
      %add3A_62 = arith.addf %get3A_60, %add3A_61 : vector<16xf32>
      %get3A_63 = arith.constant 1 : i32
      %get3A_64 = arith.index_cast %get3A_63 : i32 to index
      %get3A_65 = arith.index_cast %mul3A_56 : i32 to index
      %get3A_66 = tpu.vector_load %arg11[%get3A_64, %get3A_65] {strides = array<i32>} : memref<16x512xf32, #tpu.memory_space<vmem>>, vector<16xf32>,
      %add3A_67 = arith.addf %add3A_62, %get3A_66 : vector<16xf32>
      %get3A_68 = arith.constant 2 : i32
      %get3A_69 = arith.index_cast %get3A_68 : i32 to index
      %get3A_70 = arith.index_cast %mul3A_56 : i32 to index
      %get3A_71 = tpu.vector_load %arg11[%get3A_69, %get3A_70] {strides = array<i32>} : memref<16x512xf32, #tpu.memory_space<vmem>>, vector<16xf32>,
      %add3A_72 = arith.addf %add3A_67, %get3A_71 : vector<16xf32>
      %get3A_73 = arith.constant 3 : i32
      %get3A_74 = arith.index_cast %get3A_73 : i32 to index
      %get3A_75 = arith.index_cast %mul3A_56 : i32 to index
      %get3A_76 = tpu.vector_load %arg11[%get3A_74, %get3A_75] {strides = array<i32>} : memref<16x512xf32, #tpu.memory_space<vmem>>, vector<16xf32>,
      %add3A_77 = arith.addf %add3A_72, %get3A_76 : vector<16xf32>
      %get3A_78 = arith.constant 4 : i32
      %get3A_79 = arith.index_cast %get3A_78 : i32 to index
      %get3A_80 = arith.index_cast %mul3A_56 : i32 to index
      %get3A_81 = tpu.vector_load %arg11[%get3A_79, %get3A_80] {strides = array<i32>} : memref<16x512xf32, #tpu.memory_space<vmem>>, vector<16xf32>,
      %add3A_82 = arith.addf %add3A_77, %get3A_81 : vector<16xf32>
      %get3A_83 = arith.constant 5 : i32
      %get3A_84 = arith.index_cast %get3A_83 : i32 to index
      %get3A_85 = arith.index_cast %mul3A_56 : i32 to index
      %get3A_86 = tpu.vector_load %arg11[%get3A_84, %get3A_85] {strides = array<i32>} : memref<16x512xf32, #tpu.memory_space<vmem>>, vector<16xf32>,
      %add3A_87 = arith.addf %add3A_82, %get3A_86 : vector<16xf32>
      %get3A_88 = arith.constant 6 : i32
      %get3A_89 = arith.index_cast %get3A_88 : i32 to index
      %get3A_90 = arith.index_cast %mul3A_56 : i32 to index
      %get3A_91 = tpu.vector_load %arg11[%get3A_89, %get3A_90] {strides = array<i32>} : memref<16x512xf32, #tpu.memory_space<vmem>>, vector<16xf32>,
      %add3A_92 = arith.addf %add3A_87, %get3A_91 : vector<16xf32>
      %get3A_93 = arith.constant 7 : i32
      %get3A_94 = arith.index_cast %get3A_93 : i32 to index
      %get3A_95 = arith.index_cast %mul3A_56 : i32 to index
      %get3A_96 = tpu.vector_load %arg11[%get3A_94, %get3A_95] {strides = array<i32>} : memref<16x512xf32, #tpu.memory_space<vmem>>, vector<16xf32>,
      %add3A_97 = arith.addf %add3A_92, %get3A_96 : vector<16xf32>
      %get3A_98 = arith.constant 8 : i32
      %get3A_99 = arith.index_cast %get3A_98 : i32 to index
      %get3A_100 = arith.index_cast %mul3A_56 : i32 to index
      %get3A_101 = tpu.vector_load %arg11[%get3A_99, %get3A_100] {strides = array<i32>} : memref<16x512xf32, #tpu.memory_space<vmem>>, vector<16xf32>,
      %add3A_102 = arith.addf %add3A_97, %get3A_101 : vector<16xf32>
      %get3A_103 = arith.constant 9 : i32
      %get3A_104 = arith.index_cast %get3A_103 : i32 to index
      %get3A_105 = arith.index_cast %mul3A_56 : i32 to index
      %get3A_106 = tpu.vector_load %arg11[%get3A_104, %get3A_105] {strides = array<i32>} : memref<16x512xf32, #tpu.memory_space<vmem>>, vector<16xf32>,
      %add3A_107 = arith.addf %add3A_102, %get3A_106 : vector<16xf32>
      %get3A_108 = arith.constant 10 : i32
      %get3A_109 = arith.index_cast %get3A_108 : i32 to index
      %get3A_110 = arith.index_cast %mul3A_56 : i32 to index
      %get3A_111 = tpu.vector_load %arg11[%get3A_109, %get3A_110] {strides = array<i32>} : memref<16x512xf32, #tpu.memory_space<vmem>>, vector<16xf32>,
      %add3A_112 = arith.addf %add3A_107, %get3A_111 : vector<16xf32>
      %get3A_113 = arith.constant 11 : i32
      %get3A_114 = arith.index_cast %get3A_113 : i32 to index
      %get3A_115 = arith.index_cast %mul3A_56 : i32 to index
      %get3A_116 = tpu.vector_load %arg11[%get3A_114, %get3A_115] {strides = array<i32>} : memref<16x512xf32, #tpu.memory_space<vmem>>, vector<16xf32>,
      %add3A_117 = arith.addf %add3A_112, %get3A_116 : vector<16xf32>
      %get3A_118 = arith.constant 12 : i32
      %get3A_119 = arith.index_cast %get3A_118 : i32 to index
      %get3A_120 = arith.index_cast %mul3A_56 : i32 to index
      %get3A_121 = tpu.vector_load %arg11[%get3A_119, %get3A_120] {strides = array<i32>} : memref<16x512xf32, #tpu.memory_space<vmem>>, vector<16xf32>,
      %add3A_122 = arith.addf %add3A_117, %get3A_121 : vector<16xf32>
      %get3A_123 = arith.constant 13 : i32
      %get3A_124 = arith.index_cast %get3A_123 : i32 to index
      %get3A_125 = arith.index_cast %mul3A_56 : i32 to index
      %get3A_126 = tpu.vector_load %arg11[%get3A_124, %get3A_125] {strides = array<i32>} : memref<16x512xf32, #tpu.memory_space<vmem>>, vector<16xf32>,
      %add3A_127 = arith.addf %add3A_122, %get3A_126 : vector<16xf32>
      %get3A_128 = arith.constant 14 : i32
      %get3A_129 = arith.index_cast %get3A_128 : i32 to index
      %get3A_130 = arith.index_cast %mul3A_56 : i32 to index
      %get3A_131 = tpu.vector_load %arg11[%get3A_129, %get3A_130] {strides = array<i32>} : memref<16x512xf32, #tpu.memory_space<vmem>>, vector<16xf32>,
      %add3A_132 = arith.addf %add3A_127, %get3A_131 : vector<16xf32>
      %get3A_133 = arith.constant 15 : i32
      %get3A_134 = arith.index_cast %get3A_133 : i32 to index
      %get3A_135 = arith.index_cast %mul3A_56 : i32 to index
      %get3A_136 = tpu.vector_load %arg11[%get3A_134, %get3A_135] {strides = array<i32>} : memref<16x512xf32, #tpu.memory_space<vmem>>, vector<16xf32>,
      %add3A_137 = arith.addf %add3A_132, %get3A_136 : vector<16xf32>
      %swap3A = arith.index_cast %mul3A_56 : i32 to index
      %swap3A_138 = tpu.vector_load %arg12[%swap3A] {strides = array<i32>} : memref<512xf32, #tpu.memory_space<vmem>>, vector<16xf32>,
      tpu.vector_store %arg12[%swap3A], %add3A_137 {strides = array<i32>} : memref<512xf32, #tpu.memory_space<vmem>>, vector<16xf32>,
      %scan3A_139 = arith.constant 1 : i32
      %scan3A_140 = arith.addi %scan3A_50, %scan3A_139 : i32
      %mul3A_141 = arith.constant 1 : i32
      %mul3A_142 = arith.muli %scan3A_140, %mul3A_141 : i32
      %add3A_143 = arith.constant 0 : i32
      %add3A_144 = arith.addi %add3A_143, %mul3A_142 : i32
      %mul3A_145 = arith.constant 16 : i32
      %mul3A_146 = arith.muli %add3A_144, %mul3A_145 : i32
      %get3A_147 = arith.constant 0 : i32
      %get3A_148 = arith.index_cast %get3A_147 : i32 to index
      %get3A_149 = arith.index_cast %mul3A_146 : i32 to index
      %get3A_150 = tpu.vector_load %arg11[%get3A_148, %get3A_149] {strides = array<i32>} : memref<16x512xf32, #tpu.memory_space<vmem>>, vector<16xf32>,
      %add3A_151 = vector.broadcast %squeeze3A : f32 to vector<16xf32>
      %add3A_152 = arith.addf %get3A_150, %add3A_151 : vector<16xf32>
      %get3A_153 = arith.constant 1 : i32
      %get3A_154 = arith.index_cast %get3A_153 : i32 to index
      %get3A_155 = arith.index_cast %mul3A_146 : i32 to index
      %get3A_156 = tpu.vector_load %arg11[%get3A_154, %get3A_155] {strides = array<i32>} : memref<16x512xf32, #tpu.memory_space<vmem>>, vector<16xf32>,
      %add3A_157 = arith.addf %add3A_152, %get3A_156 : vector<16xf32>
      %get3A_158 = arith.constant 2 : i32
      %get3A_159 = arith.index_cast %get3A_158 : i32 to index
      %get3A_160 = arith.index_cast %mul3A_146 : i32 to index
      %get3A_161 = tpu.vector_load %arg11[%get3A_159, %get3A_160] {strides = array<i32>} : memref<16x512xf32, #tpu.memory_space<vmem>>, vector<16xf32>,
      %add3A_162 = arith.addf %add3A_157, %get3A_161 : vector<16xf32>
      %get3A_163 = arith.constant 3 : i32
      %get3A_164 = arith.index_cast %get3A_163 : i32 to index
      %get3A_165 = arith.index_cast %mul3A_146 : i32 to index
      %get3A_166 = tpu.vector_load %arg11[%get3A_164, %get3A_165] {strides = array<i32>} : memref<16x512xf32, #tpu.memory_space<vmem>>, vector<16xf32>,
      %add3A_167 = arith.addf %add3A_162, %get3A_166 : vector<16xf32>
      %get3A_168 = arith.constant 4 : i32
      %get3A_169 = arith.index_cast %get3A_168 : i32 to index
      %get3A_170 = arith.index_cast %mul3A_146 : i32 to index
      %get3A_171 = tpu.vector_load %arg11[%get3A_169, %get3A_170] {strides = array<i32>} : memref<16x512xf32, #tpu.memory_space<vmem>>, vector<16xf32>,
      %add3A_172 = arith.addf %add3A_167, %get3A_171 : vector<16xf32>
      %get3A_173 = arith.constant 5 : i32
      %get3A_174 = arith.index_cast %get3A_173 : i32 to index
      %get3A_175 = arith.index_cast %mul3A_146 : i32 to index
      %get3A_176 = tpu.vector_load %arg11[%get3A_174, %get3A_175] {strides = array<i32>} : memref<16x512xf32, #tpu.memory_space<vmem>>, vector<16xf32>,
      %add3A_177 = arith.addf %add3A_172, %get3A_176 : vector<16xf32>
      %get3A_178 = arith.constant 6 : i32
      %get3A_179 = arith.index_cast %get3A_178 : i32 to index
      %get3A_180 = arith.index_cast %mul3A_146 : i32 to index
      %get3A_181 = tpu.vector_load %arg11[%get3A_179, %get3A_180] {strides = array<i32>} : memref<16x512xf32, #tpu.memory_space<vmem>>, vector<16xf32>,
      %add3A_182 = arith.addf %add3A_177, %get3A_181 : vector<16xf32>
      %get3A_183 = arith.constant 7 : i32
      %get3A_184 = arith.index_cast %get3A_183 : i32 to index
      %get3A_185 = arith.index_cast %mul3A_146 : i32 to index
      %get3A_186 = tpu.vector_load %arg11[%get3A_184, %get3A_185] {strides = array<i32>} : memref<16x512xf32, #tpu.memory_space<vmem>>, vector<16xf32>,
      %add3A_187 = arith.addf %add3A_182, %get3A_186 : vector<16xf32>
      %get3A_188 = arith.constant 8 : i32
      %get3A_189 = arith.index_cast %get3A_188 : i32 to index
      %get3A_190 = arith.index_cast %mul3A_146 : i32 to index
      %get3A_191 = tpu.vector_load %arg11[%get3A_189, %get3A_190] {strides = array<i32>} : memref<16x512xf32, #tpu.memory_space<vmem>>, vector<16xf32>,
      %add3A_192 = arith.addf %add3A_187, %get3A_191 : vector<16xf32>
      %get3A_193 = arith.constant 9 : i32
      %get3A_194 = arith.index_cast %get3A_193 : i32 to index
      %get3A_195 = arith.index_cast %mul3A_146 : i32 to index
      %get3A_196 = tpu.vector_load %arg11[%get3A_194, %get3A_195] {strides = array<i32>} : memref<16x512xf32, #tpu.memory_space<vmem>>, vector<16xf32>,
      %add3A_197 = arith.addf %add3A_192, %get3A_196 : vector<16xf32>
      %get3A_198 = arith.constant 10 : i32
      %get3A_199 = arith.index_cast %get3A_198 : i32 to index
      %get3A_200 = arith.index_cast %mul3A_146 : i32 to index
      %get3A_201 = tpu.vector_load %arg11[%get3A_199, %get3A_200] {strides = array<i32>} : memref<16x512xf32, #tpu.memory_space<vmem>>, vector<16xf32>,
      %add3A_202 = arith.addf %add3A_197, %get3A_201 : vector<16xf32>
      %get3A_203 = arith.constant 11 : i32
      %get3A_204 = arith.index_cast %get3A_203 : i32 to index
      %get3A_205 = arith.index_cast %mul3A_146 : i32 to index
      %get3A_206 = tpu.vector_load %arg11[%get3A_204, %get3A_205] {strides = array<i32>} : memref<16x512xf32, #tpu.memory_space<vmem>>, vector<16xf32>,
      %add3A_207 = arith.addf %add3A_202, %get3A_206 : vector<16xf32>
      %get3A_208 = arith.constant 12 : i32
      %get3A_209 = arith.index_cast %get3A_208 : i32 to index
      %get3A_210 = arith.index_cast %mul3A_146 : i32 to index
      %get3A_211 = tpu.vector_load %arg11[%get3A_209, %get3A_210] {strides = array<i32>} : memref<16x512xf32, #tpu.memory_space<vmem>>, vector<16xf32>,
      %add3A_212 = arith.addf %add3A_207, %get3A_211 : vector<16xf32>
      %get3A_213 = arith.constant 13 : i32
      %get3A_214 = arith.index_cast %get3A_213 : i32 to index
      %get3A_215 = arith.index_cast %mul3A_146 : i32 to index
      %get3A_216 = tpu.vector_load %arg11[%get3A_214, %get3A_215] {strides = array<i32>} : memref<16x512xf32, #tpu.memory_space<vmem>>, vector<16xf32>,
      %add3A_217 = arith.addf %add3A_212, %get3A_216 : vector<16xf32>
      %get3A_218 = arith.constant 14 : i32
      %get3A_219 = arith.index_cast %get3A_218 : i32 to index
      %get3A_220 = arith.index_cast %mul3A_146 : i32 to index
      %get3A_221 = tpu.vector_load %arg11[%get3A_219, %get3A_220] {strides = array<i32>} : memref<16x512xf32, #tpu.memory_space<vmem>>, vector<16xf32>,
      %add3A_222 = arith.addf %add3A_217, %get3A_221 : vector<16xf32>
      %get3A_223 = arith.constant 15 : i32
      %get3A_224 = arith.index_cast %get3A_223 : i32 to index
      %get3A_225 = arith.index_cast %mul3A_146 : i32 to index
      %get3A_226 = tpu.vector_load %arg11[%get3A_224, %get3A_225] {strides = array<i32>} : memref<16x512xf32, #tpu.memory_space<vmem>>, vector<16xf32>,
      %add3A_227 = arith.addf %add3A_222, %get3A_226 : vector<16xf32>
      %swap3A_228 = arith.index_cast %mul3A_146 : i32 to index
      %swap3A_229 = tpu.vector_load %arg12[%swap3A_228] {strides = array<i32>} : memref<512xf32, #tpu.memory_space<vmem>>, vector<16xf32>,
      tpu.vector_store %arg12[%swap3A_228], %add3A_227 {strides = array<i32>} : memref<512xf32, #tpu.memory_space<vmem>>, vector<16xf32>,
      %scan3A_230 = arith.constant 2 : i32
      %scan3A_231 = arith.addi %scan3A_50, %scan3A_230 : i32
      %mul3A_232 = arith.constant 1 : i32
      %mul3A_233 = arith.muli %scan3A_231, %mul3A_232 : i32
      %add3A_234 = arith.constant 0 : i32
      %add3A_235 = arith.addi %add3A_234, %mul3A_233 : i32
      %mul3A_236 = arith.constant 16 : i32
      %mul3A_237 = arith.muli %add3A_235, %mul3A_236 : i32
      %get3A_238 = arith.constant 0 : i32
      %get3A_239 = arith.index_cast %get3A_238 : i32 to index
      %get3A_240 = arith.index_cast %mul3A_237 : i32 to index
      %get3A_241 = tpu.vector_load %arg11[%get3A_239, %get3A_240] {strides = array<i32>} : memref<16x512xf32, #tpu.memory_space<vmem>>, vector<16xf32>,
      %add3A_242 = vector.broadcast %squeeze3A : f32 to vector<16xf32>
      %add3A_243 = arith.addf %get3A_241, %add3A_242 : vector<16xf32>
      %get3A_244 = arith.constant 1 : i32
      %get3A_245 = arith.index_cast %get3A_244 : i32 to index
      %get3A_246 = arith.index_cast %mul3A_237 : i32 to index
      %get3A_247 = tpu.vector_load %arg11[%get3A_245, %get3A_246] {strides = array<i32>} : memref<16x512xf32, #tpu.memory_space<vmem>>, vector<16xf32>,
      %add3A_248 = arith.addf %add3A_243, %get3A_247 : vector<16xf32>
      %get3A_249 = arith.constant 2 : i32
      %get3A_250 = arith.index_cast %get3A_249 : i32 to index
      %get3A_251 = arith.index_cast %mul3A_237 : i32 to index
      %get3A_252 = tpu.vector_load %arg11[%get3A_250, %get3A_251] {strides = array<i32>} : memref<16x512xf32, #tpu.memory_space<vmem>>, vector<16xf32>,
      %add3A_253 = arith.addf %add3A_248, %get3A_252 : vector<16xf32>
      %get3A_254 = arith.constant 3 : i32
      %get3A_255 = arith.index_cast %get3A_254 : i32 to index
      %get3A_256 = arith.index_cast %mul3A_237 : i32 to index
      %get3A_257 = tpu.vector_load %arg11[%get3A_255, %get3A_256] {strides = array<i32>} : memref<16x512xf32, #tpu.memory_space<vmem>>, vector<16xf32>,
      %add3A_258 = arith.addf %add3A_253, %get3A_257 : vector<16xf32>
      %get3A_259 = arith.constant 4 : i32
      %get3A_260 = arith.index_cast %get3A_259 : i32 to index
      %get3A_261 = arith.index_cast %mul3A_237 : i32 to index
      %get3A_262 = tpu.vector_load %arg11[%get3A_260, %get3A_261] {strides = array<i32>} : memref<16x512xf32, #tpu.memory_space<vmem>>, vector<16xf32>,
      %add3A_263 = arith.addf %add3A_258, %get3A_262 : vector<16xf32>
      %get3A_264 = arith.constant 5 : i32
      %get3A_265 = arith.index_cast %get3A_264 : i32 to index
      %get3A_266 = arith.index_cast %mul3A_237 : i32 to index
      %get3A_267 = tpu.vector_load %arg11[%get3A_265, %get3A_266] {strides = array<i32>} : memref<16x512xf32, #tpu.memory_space<vmem>>, vector<16xf32>,
      %add3A_268 = arith.addf %add3A_263, %get3A_267 : vector<16xf32>
      %get3A_269 = arith.constant 6 : i32
      %get3A_270 = arith.index_cast %get3A_269 : i32 to index
      %get3A_271 = arith.index_cast %mul3A_237 : i32 to index
      %get3A_272 = tpu.vector_load %arg11[%get3A_270, %get3A_271] {strides = array<i32>} : memref<16x512xf32, #tpu.memory_space<vmem>>, vector<16xf32>,
      %add3A_273 = arith.addf %add3A_268, %get3A_272 : vector<16xf32>
      %get3A_274 = arith.constant 7 : i32
      %get3A_275 = arith.index_cast %get3A_274 : i32 to index
      %get3A_276 = arith.index_cast %mul3A_237 : i32 to index
      %get3A_277 = tpu.vector_load %arg11[%get3A_275, %get3A_276] {strides = array<i32>} : memref<16x512xf32, #tpu.memory_space<vmem>>, vector<16xf32>,
      %add3A_278 = arith.addf %add3A_273, %get3A_277 : vector<16xf32>
      %get3A_279 = arith.constant 8 : i32
      %get3A_280 = arith.index_cast %get3A_279 : i32 to index
      %get3A_281 = arith.index_cast %mul3A_237 : i32 to index
      %get3A_282 = tpu.vector_load %arg11[%get3A_280, %get3A_281] {strides = array<i32>} : memref<16x512xf32, #tpu.memory_space<vmem>>, vector<16xf32>,
      %add3A_283 = arith.addf %add3A_278, %get3A_282 : vector<16xf32>
      %get3A_284 = arith.constant 9 : i32
      %get3A_285 = arith.index_cast %get3A_284 : i32 to index
      %get3A_286 = arith.index_cast %mul3A_237 : i32 to index
      %get3A_287 = tpu.vector_load %arg11[%get3A_285, %get3A_286] {strides = array<i32>} : memref<16x512xf32, #tpu.memory_space<vmem>>, vector<16xf32>,
      %add3A_288 = arith.addf %add3A_283, %get3A_287 : vector<16xf32>
      %get3A_289 = arith.constant 10 : i32
      %get3A_290 = arith.index_cast %get3A_289 : i32 to index
      %get3A_291 = arith.index_cast %mul3A_237 : i32 to index
      %get3A_292 = tpu.vector_load %arg11[%get3A_290, %get3A_291] {strides = array<i32>} : memref<16x512xf32, #tpu.memory_space<vmem>>, vector<16xf32>,
      %add3A_293 = arith.addf %add3A_288, %get3A_292 : vector<16xf32>
      %get3A_294 = arith.constant 11 : i32
      %get3A_295 = arith.index_cast %get3A_294 : i32 to index
      %get3A_296 = arith.index_cast %mul3A_237 : i32 to index
      %get3A_297 = tpu.vector_load %arg11[%get3A_295, %get3A_296] {strides = array<i32>} : memref<16x512xf32, #tpu.memory_space<vmem>>, vector<16xf32>,
      %add3A_298 = arith.addf %add3A_293, %get3A_297 : vector<16xf32>
      %get3A_299 = arith.constant 12 : i32
      %get3A_300 = arith.index_cast %get3A_299 : i32 to index
      %get3A_301 = arith.index_cast %mul3A_237 : i32 to index
      %get3A_302 = tpu.vector_load %arg11[%get3A_300, %get3A_301] {strides = array<i32>} : memref<16x512xf32, #tpu.memory_space<vmem>>, vector<16xf32>,
      %add3A_303 = arith.addf %add3A_298, %get3A_302 : vector<16xf32>
      %get3A_304 = arith.constant 13 : i32
      %get3A_305 = arith.index_cast %get3A_304 : i32 to index
      %get3A_306 = arith.index_cast %mul3A_237 : i32 to index
      %get3A_307 = tpu.vector_load %arg11[%get3A_305, %get3A_306] {strides = array<i32>} : memref<16x512xf32, #tpu.memory_space<vmem>>, vector<16xf32>,
      %add3A_308 = arith.addf %add3A_303, %get3A_307 : vector<16xf32>
      %get3A_309 = arith.constant 14 : i32
      %get3A_310 = arith.index_cast %get3A_309 : i32 to index
      %get3A_311 = arith.index_cast %mul3A_237 : i32 to index
      %get3A_312 = tpu.vector_load %arg11[%get3A_310, %get3A_311] {strides = array<i32>} : memref<16x512xf32, #tpu.memory_space<vmem>>, vector<16xf32>,
      %add3A_313 = arith.addf %add3A_308, %get3A_312 : vector<16xf32>
      %get3A_314 = arith.constant 15 : i32
      %get3A_315 = arith.index_cast %get3A_314 : i32 to index
      %get3A_316 = arith.index_cast %mul3A_237 : i32 to index
      %get3A_317 = tpu.vector_load %arg11[%get3A_315, %get3A_316] {strides = array<i32>} : memref<16x512xf32, #tpu.memory_space<vmem>>, vector<16xf32>,
      %add3A_318 = arith.addf %add3A_313, %get3A_317 : vector<16xf32>
      %swap3A_319 = arith.index_cast %mul3A_237 : i32 to index
      %swap3A_320 = tpu.vector_load %arg12[%swap3A_319] {strides = array<i32>} : memref<512xf32, #tpu.memory_space<vmem>>, vector<16xf32>,
      tpu.vector_store %arg12[%swap3A_319], %add3A_318 {strides = array<i32>} : memref<512xf32, #tpu.memory_space<vmem>>, vector<16xf32>,
      %scan3A_321 = arith.constant 3 : i32
      %scan3A_322 = arith.addi %scan3A_50, %scan3A_321 : i32
      %mul3A_323 = arith.constant 1 : i32
      %mul3A_324 = arith.muli %scan3A_322, %mul3A_323 : i32
      %add3A_325 = arith.constant 0 : i32
      %add3A_326 = arith.addi %add3A_325, %mul3A_324 : i32
      %mul3A_327 = arith.constant 16 : i32
      %mul3A_328 = arith.muli %add3A_326, %mul3A_327 : i32
      %get3A_329 = arith.constant 0 : i32
      %get3A_330 = arith.index_cast %get3A_329 : i32 to index
      %get3A_331 = arith.index_cast %mul3A_328 : i32 to index
      %get3A_332 = tpu.vector_load %arg11[%get3A_330, %get3A_331] {strides = array<i32>} : memref<16x512xf32, #tpu.memory_space<vmem>>, vector<16xf32>,
      %add3A_333 = vector.broadcast %squeeze3A : f32 to vector<16xf32>
      %add3A_334 = arith.addf %get3A_332, %add3A_333 : vector<16xf32>
      %get3A_335 = arith.constant 1 : i32
      %get3A_336 = arith.index_cast %get3A_335 : i32 to index
      %get3A_337 = arith.index_cast %mul3A_328 : i32 to index
      %get3A_338 = tpu.vector_load %arg11[%get3A_336, %get3A_337] {strides = array<i32>} : memref<16x512xf32, #tpu.memory_space<vmem>>, vector<16xf32>,
      %add3A_339 = arith.addf %add3A_334, %get3A_338 : vector<16xf32>
      %get3A_340 = arith.constant 2 : i32
      %get3A_341 = arith.index_cast %get3A_340 : i32 to index
      %get3A_342 = arith.index_cast %mul3A_328 : i32 to index
      %get3A_343 = tpu.vector_load %arg11[%get3A_341, %get3A_342] {strides = array<i32>} : memref<16x512xf32, #tpu.memory_space<vmem>>, vector<16xf32>,
      %add3A_344 = arith.addf %add3A_339, %get3A_343 : vector<16xf32>
      %get3A_345 = arith.constant 3 : i32
      %get3A_346 = arith.index_cast %get3A_345 : i32 to index
      %get3A_347 = arith.index_cast %mul3A_328 : i32 to index
      %get3A_348 = tpu.vector_load %arg11[%get3A_346, %get3A_347] {strides = array<i32>} : memref<16x512xf32, #tpu.memory_space<vmem>>, vector<16xf32>,
      %add3A_349 = arith.addf %add3A_344, %get3A_348 : vector<16xf32>
      %get3A_350 = arith.constant 4 : i32
      %get3A_351 = arith.index_cast %get3A_350 : i32 to index
      %get3A_352 = arith.index_cast %mul3A_328 : i32 to index
      %get3A_353 = tpu.vector_load %arg11[%get3A_351, %get3A_352] {strides = array<i32>} : memref<16x512xf32, #tpu.memory_space<vmem>>, vector<16xf32>,
      %add3A_354 = arith.addf %add3A_349, %get3A_353 : vector<16xf32>
      %get3A_355 = arith.constant 5 : i32
      %get3A_356 = arith.index_cast %get3A_355 : i32 to index
      %get3A_357 = arith.index_cast %mul3A_328 : i32 to index
      %get3A_358 = tpu.vector_load %arg11[%get3A_356, %get3A_357] {strides = array<i32>} : memref<16x512xf32, #tpu.memory_space<vmem>>, vector<16xf32>,
      %add3A_359 = arith.addf %add3A_354, %get3A_358 : vector<16xf32>
      %get3A_360 = arith.constant 6 : i32
      %get3A_361 = arith.index_cast %get3A_360 : i32 to index
      %get3A_362 = arith.index_cast %mul3A_328 : i32 to index
      %get3A_363 = tpu.vector_load %arg11[%get3A_361, %get3A_362] {strides = array<i32>} : memref<16x512xf32, #tpu.memory_space<vmem>>, vector<16xf32>,
      %add3A_364 = arith.addf %add3A_359, %get3A_363 : vector<16xf32>
      %get3A_365 = arith.constant 7 : i32
      %get3A_366 = arith.index_cast %get3A_365 : i32 to index
      %get3A_367 = arith.index_cast %mul3A_328 : i32 to index
      %get3A_368 = tpu.vector_load %arg11[%get3A_366, %get3A_367] {strides = array<i32>} : memref<16x512xf32, #tpu.memory_space<vmem>>, vector<16xf32>,
      %add3A_369 = arith.addf %add3A_364, %get3A_368 : vector<16xf32>
      %get3A_370 = arith.constant 8 : i32
      %get3A_371 = arith.index_cast %get3A_370 : i32 to index
      %get3A_372 = arith.index_cast %mul3A_328 : i32 to index
      %get3A_373 = tpu.vector_load %arg11[%get3A_371, %get3A_372] {strides = array<i32>} : memref<16x512xf32, #tpu.memory_space<vmem>>, vector<16xf32>,
      %add3A_374 = arith.addf %add3A_369, %get3A_373 : vector<16xf32>
      %get3A_375 = arith.constant 9 : i32
      %get3A_376 = arith.index_cast %get3A_375 : i32 to index
      %get3A_377 = arith.index_cast %mul3A_328 : i32 to index
      %get3A_378 = tpu.vector_load %arg11[%get3A_376, %get3A_377] {strides = array<i32>} : memref<16x512xf32, #tpu.memory_space<vmem>>, vector<16xf32>,
      %add3A_379 = arith.addf %add3A_374, %get3A_378 : vector<16xf32>
      %get3A_380 = arith.constant 10 : i32
      %get3A_381 = arith.index_cast %get3A_380 : i32 to index
      %get3A_382 = arith.index_cast %mul3A_328 : i32 to index
      %get3A_383 = tpu.vector_load %arg11[%get3A_381, %get3A_382] {strides = array<i32>} : memref<16x512xf32, #tpu.memory_space<vmem>>, vector<16xf32>,
      %add3A_384 = arith.addf %add3A_379, %get3A_383 : vector<16xf32>
      %get3A_385 = arith.constant 11 : i32
      %get3A_386 = arith.index_cast %get3A_385 : i32 to index
      %get3A_387 = arith.index_cast %mul3A_328 : i32 to index
      %get3A_388 = tpu.vector_load %arg11[%get3A_386, %get3A_387] {strides = array<i32>} : memref<16x512xf32, #tpu.memory_space<vmem>>, vector<16xf32>,
      %add3A_389 = arith.addf %add3A_384, %get3A_388 : vector<16xf32>
      %get3A_390 = arith.constant 12 : i32
      %get3A_391 = arith.index_cast %get3A_390 : i32 to index
      %get3A_392 = arith.index_cast %mul3A_328 : i32 to index
      %get3A_393 = tpu.vector_load %arg11[%get3A_391, %get3A_392] {strides = array<i32>} : memref<16x512xf32, #tpu.memory_space<vmem>>, vector<16xf32>,
      %add3A_394 = arith.addf %add3A_389, %get3A_393 : vector<16xf32>
      %get3A_395 = arith.constant 13 : i32
      %get3A_396 = arith.index_cast %get3A_395 : i32 to index
      %get3A_397 = arith.index_cast %mul3A_328 : i32 to index
      %get3A_398 = tpu.vector_load %arg11[%get3A_396, %get3A_397] {strides = array<i32>} : memref<16x512xf32, #tpu.memory_space<vmem>>, vector<16xf32>,
      %add3A_399 = arith.addf %add3A_394, %get3A_398 : vector<16xf32>
      %get3A_400 = arith.constant 14 : i32
      %get3A_401 = arith.index_cast %get3A_400 : i32 to index
      %get3A_402 = arith.index_cast %mul3A_328 : i32 to index
      %get3A_403 = tpu.vector_load %arg11[%get3A_401, %get3A_402] {strides = array<i32>} : memref<16x512xf32, #tpu.memory_space<vmem>>, vector<16xf32>,
      %add3A_404 = arith.addf %add3A_399, %get3A_403 : vector<16xf32>
      %get3A_405 = arith.constant 15 : i32
      %get3A_406 = arith.index_cast %get3A_405 : i32 to index
      %get3A_407 = arith.index_cast %mul3A_328 : i32 to index
      %get3A_408 = tpu.vector_load %arg11[%get3A_406, %get3A_407] {strides = array<i32>} : memref<16x512xf32, #tpu.memory_space<vmem>>, vector<16xf32>,
      %add3A_409 = arith.addf %add3A_404, %get3A_408 : vector<16xf32>
      %swap3A_410 = arith.index_cast %mul3A_328 : i32 to index
      %swap3A_411 = tpu.vector_load %arg12[%swap3A_410] {strides = array<i32>} : memref<512xf32, #tpu.memory_space<vmem>>, vector<16xf32>,
      tpu.vector_store %arg12[%swap3A_410], %add3A_409 {strides = array<i32>} : memref<512xf32, #tpu.memory_space<vmem>>, vector<16xf32>,
    }
    %scan3A_46 = arith.constant 32 : i32
    %mul3A_47 = arith.constant 512 : i32
    %mul3A_48 = arith.muli %arg1, %mul3A_47 : i32
    %add3A_49 = arith.addi %mul3A_0, %mul3A_48 : i32
    "tpu.region"() ({
      %run_scoped3A = tpu.sem_alloc : memref<!tpu.dma_semaphore, #tpu.memory_space<semaphore_mem>>
      %dma_start3A_50 = tpu.memref_slice %arg5[%add3A_49] : memref<16384xf32, #tpu.memory_space<hbm>> -> memref<512xf32, #tpu.memory_space<hbm>>
      %dma_start3A_51 = tpu.memref_slice %arg5[%add3A_49] : memref<16384xf32, #tpu.memory_space<hbm>> -> memref<512xf32, #tpu.memory_space<hbm>>
      tpu.enqueue_dma source(%arg12 : memref<512xf32, #tpu.memory_space<vmem>>) target(%dma_start3A_51 : memref<512xf32, #tpu.memory_space<hbm>>) target_semaphore(%run_scoped3A : memref<!tpu.dma_semaphore, #tpu.memory_space<semaphore_mem>>)
      %dma_wait3A_52 = tpu.memref_slice %arg5[%add3A_49] : memref<16384xf32, #tpu.memory_space<hbm>> -> memref<512xf32, #tpu.memory_space<hbm>>
      %dma_wait3A_53 = tpu.memref_slice %arg5[%add3A_49] : memref<16384xf32, #tpu.memory_space<hbm>> -> memref<512xf32, #tpu.memory_space<hbm>>
      tpu.wait_dma2 semaphore(%run_scoped3A : memref<!tpu.dma_semaphore, #tpu.memory_space<semaphore_mem>>) src(%arg12 : memref<512xf32, #tpu.memory_space<vmem>>) dst(%dma_wait3A_53 : memref<512xf32, #tpu.memory_space<hbm>>)
      tpu.yield
    }) : () -> ()
    return
  }
}

</mosaic_0001>

<sc_bundles>
// kernel: _launch.3.cloned.1.call-start
scs
__scs_entry_jumppad:
0x0: {  	(pc) =	sbr.rel $0x88, $3  }
0x1: {  	(tag) =	ssettag $0x0;
	lr =	simm.s32 $0x1  }
0x2: {  	[smem:$0x3F9E] =	sst lr;
	_ =	strace $0xD0000000  }
0x3: {  	_ = 	snop  }
0x4: {  	_ = 	snop  }
0x5: {  	_ = 	snop  }
0x6: {  	_ = 	snop  }
0x7: {  	_ = 	snop  }
__scs_overlays_trampoline_lowered:
0x8: {  	[smem:$0x3FAD] =	sst s0  }
0x9: {  	[smem:$0x3FAE] =	sst s1  }
0xa: {  	[smem:$0x3FAF] =	sst s2  }
0xb: {  	[smem:$0x3FB0] =	sst s3  }
0xc: {  	[smem:$0x3FB1] =	sst s4  }
0xd: {  	[smem:$0x3FB2] =	sst s5  }
0xe: {  	[smem:$0x3FB3] =	sst s6  }
0xf: {  	[smem:$0x3FB4] =	sst s7  }
0x10: {  	[smem:$0x3FB5] =	sst s8  }
0x11: {  	[smem:$0x3FB6] =	sst s9;
	s0 =	simm.s32 @!p0 $0x0  }
0x12: {  	s1 =	sld [smem:$0x3F9C];
	s0 =	simm.s32 @p0 $0x1  }
0x13: {  	[smem:$0x3FB7] =	sst s0;
	s0 =	simm.s32 @!p1 $0x0  }
0x14: {  	s2 =	sld [smem:$0x3F9B];
	s0 =	simm.s32 @p1 $0x1  }
0x15: {  	[smem:$0x3FB8] =	sst s0;
	s0 =	simm.s32 @!p2 $0x0  }
0x16: {  	s3 =	sld [smem:$0x3FDB];
	s0 =	simm.s32 @p2 $0x1  }
0x17: {  	s4 =	simm.s32 $0x1BF5;
	[smem:$0x3FBA] =	sst s0  }
0x18: {  	s0 =	sld [smem:$0x3F9D];
	_ =	swait.ge [sflag:s4], $0x0  }
0x19: {  	s7 =	sld [smem:$0x3F9E]  }
0x1a: {  	s8 =	sadd.s32 $0xFFFFE003, lr  }
0x1b: {  	s9 =	sadd.s32 $0xFFFFFEF7, lr;
	s5 =	simm.s32 $0xFFFFFFFF;
	p2 =	slt.u32 s8, $0xFFFFF086  }
0x1c: {  	p1 =	slt.u32 s9, $0xF7A;
	s5 =	simm.s32 @!p2 $0x0  }
0x1d: {  	s5 =	simm.s32 @p1 $0x1;
	p0 =	seq.s32 s7, s2  }
0x1e: {  	s7 =	smul.u32 @!p0 $0xF7A, s2;
	p2 =	seq.s32 @!p0 s5, $0x0  }
0x1f: {  	s9 =	smul.u32 $0xF7A, s1;
	s8 =	simm.s32 @!p0 $0x1BF5;
	p2 =	por !p2, p0  }
0x20: {  	[sflag:s8] =	ssyncset.s32 @!p0 $0xFFFFF086;
	s6 =	sadd.s32 @!p0 s3, s7;
	s7 =	simm.s32 @!p0 $0x108  }
0x21: {  	s3 =	sadd.s32 s3, s9;
	s6 =	sadd.s32 @!p0 $0x88, s6;
	s7 =	simm.s32 @p2 $0x1082  }
0x22: {  	[simem:s7], [sflag:s8] =	dma.local @!p0 [hbm:s6], $0xF7A  }
0x23: {  	s9 =	sor.u32 $0xD0000000, s2;
	s6 =	simm.s32 $0x108;
	_ =	swait.ge @!p0 [sflag:s8], $0x0  }
0x24: {  	s3 =	sadd.s32 $0x88, s3;
	s6 =	simm.s32 @!p1 $0x1082;
	[sflag:s4] =	ssyncset.s32 $0xFFFFF086  }
0x25: {  	[simem:s6], [sflag:s4] =	dma.local [hbm:s3], $0xF7A  }
0x26: {  	[smem:$0x3F9E] =	sst s1;
	(tag) =	ssettag s2;
	_ =	strace s9  }
0x27: {  	s1 =	sld [smem:$0x3FAE]  }
0x28: {  	s2 =	sld [smem:$0x3FAF]  }
0x29: {  	s4 =	sld [smem:$0x3FB1]  }
0x2a: {  	p0 =	seq.s32 s5, $0x0;
	s5 =	sld [smem:$0x3FB2]  }
0x2b: {  	s6 =	sld [smem:$0x3FB3]  }
0x2c: {  	s7 =	sld [smem:$0x3FB4]  }
0x2d: {  	s3 =	simm.s32 $0x108;
	s8 =	sld [smem:$0x3FB5]  }
0x2e: {  	s3 =	simm.s32 @!p0 $0x1082;
	s9 =	sld [smem:$0x3FB6]  }
0x2f: {  	lr =	sadd.s32 s0, s3;
	s0 =	sld [smem:$0x3FAD]  }
0x30: {  	s3 =	sld [smem:$0x3FB0]  }
0x31: {  	[smem:$0x3FB9] =	sst s10  }
0x32: {  	s10 =	sld [smem:$0x3FB7];
	_ =	sdelay $0x3  }
0x33: {  	p0 =	seq.s32 s10, $0x1;
	s10 =	sld [smem:$0x3FB9];
	_ =	sdelay $0x3  }
0x34: {  	[smem:$0x3FB9] =	sst s10  }
0x35: {  	s10 =	sld [smem:$0x3FB8];
	_ =	sdelay $0x3  }
0x36: {  	p1 =	seq.s32 s10, $0x1;
	s10 =	sld [smem:$0x3FB9];
	_ =	sdelay $0x3  }
0x37: {  	[smem:$0x3FB9] =	sst s10  }
0x38: {  	s10 =	sld [smem:$0x3FBA]  }
0x39: {  	_ = 	snop;
	(pc) =	sbr.ind lr, $3  }
0x3a: {  	_ = 	snop  }
0x3b: {  	_ = 	snop  }
0x3c: {  	p2 =	seq.s32 s10, $0x1;
	s10 =	sld [smem:$0x3FB9]  }
0x3d: {  	_ =	shalt  }
0x3e: {  	_ =	shalt  }
0x3f: {  	_ =	shalt  }
0x40: {  	_ =	shalt  }
0x41: {  	_ =	shalt  }
0x42: {  	_ =	shalt  }
0x43: {  	_ =	shalt  }
0x44: {  	_ =	shalt  }
0x45: {  	_ =	shalt  }
0x46: {  	_ =	shalt  }
0x47: {  	_ =	shalt  }
0x48: {  	_ =	shalt  }
0x49: {  	_ =	shalt  }
0x4a: {  	_ =	shalt  }
0x4b: {  	_ =	shalt  }
0x4c: {  	_ =	shalt  }
0x4d: {  	_ =	shalt  }
0x4e: {  	_ =	shalt  }
0x4f: {  	_ =	shalt  }
0x50: {  	_ =	shalt  }
0x51: {  	_ =	shalt  }
0x52: {  	_ =	shalt  }
0x53: {  	_ =	shalt  }
0x54: {  	_ =	shalt  }
0x55: {  	_ =	shalt  }
0x56: {  	_ =	shalt  }
0x57: {  	_ =	shalt  }
0x58: {  	_ =	shalt  }
0x59: {  	_ =	shalt  }
0x5a: {  	_ =	shalt  }
0x5b: {  	_ =	shalt  }
0x5c: {  	_ =	shalt  }
0x5d: {  	_ =	shalt  }
0x5e: {  	_ =	shalt  }
0x5f: {  	_ =	shalt  }
0x60: {  	_ =	shalt  }
0x61: {  	_ =	shalt  }
0x62: {  	_ =	shalt  }
0x63: {  	_ =	shalt  }
0x64: {  	_ =	shalt  }
0x65: {  	_ =	shalt  }
0x66: {  	_ =	shalt  }
0x67: {  	_ =	shalt  }
0x68: {  	_ =	shalt  }
0x69: {  	_ =	shalt  }
0x6a: {  	_ =	shalt  }
0x6b: {  	_ =	shalt  }
0x6c: {  	_ =	shalt  }
0x6d: {  	_ =	shalt  }
0x6e: {  	_ =	shalt  }
0x6f: {  	_ =	shalt  }
0x70: {  	_ =	shalt  }
0x71: {  	_ =	shalt  }
0x72: {  	_ =	shalt  }
0x73: {  	_ =	shalt  }
0x74: {  	_ =	shalt  }
0x75: {  	_ =	shalt  }
0x76: {  	_ =	shalt  }
0x77: {  	_ =	shalt  }
0x78: {  	_ =	shalt  }
0x79: {  	_ =	shalt  }
0x7a: {  	_ =	shalt  }
0x7b: {  	_ =	shalt  }
0x7c: {  	_ =	shalt  }
0x7d: {  	_ =	shalt  }
0x7e: {  	_ =	shalt  }
0x7f: {  	_ =	shalt  }
0x80: {  	_ =	shalt  }
0x81: {  	_ =	shalt  }
0x82: {  	_ =	shalt  }
0x83: {  	_ =	shalt  }
0x84: {  	_ =	shalt  }
0x85: {  	_ =	shalt  }
0x86: {  	_ =	shalt  }
0x87: {  	_ =	shalt  }
.Lfunc_end0:
.L_simem_size_0:
called_computation_lowered:
.L_overlay_start_0:
0x88: {  	s2 =	sld [smem:$0x3FD9]  }
0x89: {  	s3 =	sld [smem:$0x3FFE];
	_ =	sdelay $0x1  }
0x8a: {  	s1 =	srdreg.scid  }
0x8b: {  	s0 =	sand.u32 $0x1, s1  }
0x8c: {  	s17 =	sshll.u32 s0, $0xA;
	s2 =	sadd.s32 s3, s2  }
0x8d: {  	s2 =	sadd.s32 s2, s17  }
0x8e: {  	[smem:$0x3FC5] =	sst s2  }
0x8f: {  	_ = 	snop  }
0x90: {  	s2 =	sld [smem:$0x3FC7]  }
0x91: {  	s18 =	sld [smem:$0x3FD0];
	(tm) =	ssettm $0x1  }
0x92: {  	s4 =	sld [smem:$0x3FFB];
	_ =	sdelay $0x3  }
0x93: {  	_ =	strace s4  }
0x94: {  	s4 =	sld [smem:$0x3FFC];
	_ =	sdelay $0x3  }
0x95: {  	_ =	strace s4  }
0x96: {  	s4 =	sld [smem:$0x3FFD];
	_ =	sdelay $0x3  }
0x97: {  	_ =	strace s4  }
0x98: {  	_ =	strace $0x8FFFFFFF  }
0x99: {  	s19 =	sld [smem:$0x3FDB];
	_ =	sdelay $0x1  }
0x9a: {  	s5 =	simm.s32 $_scs_section_size  }
0x9b: {  	s6 =	simm.s32 $_size__tile_overlayer_lowered;
	s7 =	simm.s32 $_tile_overlayer_lowered  }
0x9c: {  	s22 =	simm.s32 $0x1BFF;
	s21 =	sshll.u32 s7, $0x1;
	s4 =	sadd.s32 s5, s19  }
0x9d: {  	s8 =	simm.s32 $0x0;
	s20 =	sshll.u32 s6, $0x1;
	s6 =	sadd.s32 s21, s4  }
0x9e: {  	[timem:s8], [sflag:s22] =	dma.local [hbm:s6], s20  }
0x9f: {  	_ =	swait.ge [sflag:s22], s20  }
0xa0: {  	s5 =	ssub.s32 $0x0, s20;
	[sflag:s22] =	ssyncset.done $0x0  }
0xa1: {  	[sflag:s22] =	ssyncadd.s32 s5;
	_ =	sdelay $0x1  }
0xa2: {  	s23 =	simm.s32 $0x1B8B  }
0xa3: {  	_ =	swait.ge [sflag:s23], $0x1  }
0xa4: {  	[sflag:s23] =	ssyncset.done $0x0  }
0xa5: {  	s25 =	simm.s32 $0x1B8E;
	s24 =	sld [smem:$0x3FFE];
	[sflag:s23] =	ssyncadd.s32 $0xFFFFFFFF  }
0xa6: {  	s26 =	simm.s32 $execute0_lowered;
	[smem:$0x3FD2] =	sst s25  }
0xa7: {  	s6 =	sshll.u32 s26, $0x1;
	_ =	strace $0x80000046;
	[dreg:$0x1] =	wrdreg $0xFFFFFFFF  }
0xa8: {  	s28 =	simm.s32 $_size_execute0_lowered;
	s4 =	sadd.s32 s4, s6;
	[dreg:$0x0] =	wrdreg $0x0  }
0xa9: {  	s6 =	sshll.u32 s28, $0x1;
	[dreg:$0x2] =	wrdreg s4  }
0xaa: {  	[dreg:$0x3] =	wrdreg s6  }
0xab: {  	[dreg:$0x4] =	wrdreg $0xC0  }
0xac: {  	_ =	task [dreg:s8], $0x5FFFF  }
0xad: {  	[dreg:$0x1] =	wrdreg $0xFFFFFFFF  }
0xae: {  	[dreg:$0x0] =	wrdreg $0x60  }
0xaf: {  	[dreg:$0x2] =	wrdreg s24  }
0xb0: {  	[dreg:$0x3] =	wrdreg s2  }
0xb1: {  	[dreg:$0x4] =	wrdreg s18  }
0xb2: {  	[dreg:$0x5] =	wrdreg $0x1AE900  }
0xb3: {  	[dreg:$0x6] =	wrdreg $0x9  }
0xb4: {  	_ =	task.clear_ibuf [dreg:s8], $0x7FFFF;
	_ =	strace $0x90000046  }
0xb5: {  	s29 =	simm.s32 $0x9;
	_ =	strace $0x80000048  }
0xb6: {  	_ =	swait.ge [sflag:s29], $0x1  }
0xb7: {  	[sflag:s29] =	ssyncadd.s32 $0xFFFFFFFF  }
0xb8: {  	_ =	strace $0x90000048  }
0xb9: {  	_ =	sfence  }
0xba: {  	s30 =	sld [smem:$0x0];
	_ =	sdelay $0x2  }
0xbb: {  	s31 =	sshll.u32 s1, $0xD;
	s1 =	sshrl.u32 s1, $0x2  }
0xbc: {  	s3 =	sand.u32 $0x4000, s31;
	s1 =	sadd.s32 s1, s30  }
0xbd: {  	s0 =	sor.u32 s3, s0;
	s1 =	sshll.u32 s1, $0x11  }
0xbe: {  	s0 =	sor.u32 s1, s0  }
0xbf: {  	s0 =	sadd.s32 $0x8F2B, s0  }
0xc0: {  	[sflag:s0] =	ssyncadd.remote.s32 $0x1  }
0xc1: {  	_ =	sfence.sel $0xFFFF  }
0xc2: {  	[dreg:$0x0] =	wrdreg $0xFFFFFFFF;
	(pc) =	sbr.abs _section_cstart, $3  }
0xc3: {  	[dreg:$0x1] =	wrdreg $0xFFFFFFFF  }
0xc4: {  	_ =	task.clear_ibuf [dreg:s8], $0x2FFFF;
	_ =	strace $0x9FFFFFFF  }
0xc5: {  	(tm) =	ssettm $0x7FFFFFFF  }
tec
execute0_lowered:
.L_overlay_start_1:
0x0: {  	(tag) =	ssettag $0x1  }
0x1: {  	s3 =	rddreg [dreg:$0x0]  }
0x2: {  	s1 =	rddreg [dreg:$0x1]  }
0x3: {  	s10 =	rddreg [dreg:$0x2]  }
0x4: {  	s9 =	rddreg [dreg:$0x3]  }
0x5: {  	s0 =	rddreg [dreg:$0x4];
	s2 =	simm.s32 $0x0  }
0x6: {  	s4 =	srdreg.scid;
	s15 =	simm.s32 $0x2;
	s16 =	simm.s32 $0x9640  }
0x7: {  	s17 =	simm.s32 $0x16C80;
	s18 =	simm.s32 $0x3;
	s19 =	simm.s32 $0x200  }
0x8: {  	s20 =	simm.s32 $0x2000;
	s21 =	simm.s32 $0x18C80;
	s22 =	simm.s32 $0x1AC80  }
0x9: {  	s23 =	simm.s32 $0x0;
	[smem:$0x7FF] =	sst s2;
	s4 =	sand.u32 $0x1, s4  }
0xa: {  	s7 =	sadd.s32 $0x1F000, s3;
	s6 =	sadd.s32 $0x600, s3;
	s3 =	stileid.u32  }
0xb: {  	_ =	strace $0x80000047;
	s5 =	ssub.s32 $0x2, s4;
	s24 =	sshll.u32 s4, $0xD  }
0xc: {  	s25 =	sshll.u32 s3, $0xE;
	s26 =	smul.u32 $0x12C8, s3;
	s12 =	sor.u32 $0x10, s3  }
0xd: {  	s28 =	sshll.u32 s3, $0x9;
	s29 =	sshll.u32 s3, $0xD;
	p0 =	sgt.u32 s3, $0x9  }
0xe: {  	s8 =	sshrl.u32 s5, $0x1;
	s4 =	sor.u32 s24, s25;
	s14 =	smul.u32 $0x12C8, s12  }
0xf: {  	s12 =	sshll.u32 s12, $0xE;
	s30 =	sor.u32 s28, s24;
	s11 =	ssub.s32 s5, s8  }
0x10: {  	s13 =	sshrl.u32 s4, $0x3;
	s4 =	sadd.s32 s6, s26;
	s12 =	sor.u32 s24, s12  }
0x11: {  	s8 =	sadd.s32 s29, s9;
	s9 =	sadd.s32 s28, s9;
	s31 =	sshrl.u32 s30, $0x3  }
0x12: {  	s5 =	sadd.s32 s7, s13;
	s6 =	sadd.s32 s6, s14;
	s12 =	sshrl.u32 s12, $0x3  }
0x13: {  	s10 =	sadd.s32 s10, s31;
	s11 =	smax.u32 s11, $0x1;
	s13 =	simm.s32 $0x1AE80  }
0x14: {  	s14 =	simm.s32 $0x1;
	s7 =	sadd.s32 s7, s12;
	s12 =	simm.s32 $0x12C80  }
.LBB2_1:
0x15: {  	[tilespmem:s2], [sflag:$0x1] =	stream.linear.gather [hbm4b:s4+s2], $0x9640, $0x38;
	[tilespmem:$0x1CE90] =	vst v63  }
0x16: {  	_ = 	snop  }
0x17: {  	[tilespmem:s12], [sflag:$0x1] =	stream.linear.gather [hbm4b:s5+s2], $0x2000, $0x38;
	[tilespmem:$0x1CE90] =	vst v63  }
0x18: {  	_ = 	snop  }
0x19: {  	[tilespmem:s13], [sflag:$0x1] =	stream.linear.gather [hbm4b:s1+s2], $0x1, $0x38;
	[tilespmem:$0x1CE90] =	vst v63  }
0x1a: {  	s24 =	simm.s32 @!p0 $0x0;
	s25 =	simm.s32 @!p0 $0x9640  }
0x1b: {  	[tilespmem:s25], [sflag:$0x2] =	stream.linear.gather @!p0 [hbm4b:s6+s24], $0x9640, $0x38;
	[tilespmem:$0x1CE90] =	vst v63  }
0x1c: {  	s25 =	simm.s32 @!p0 $0x14C80  }
0x1d: {  	[tilespmem:s25], [sflag:$0x2] =	stream.linear.gather @!p0 [hbm4b:s7+s24], $0x2000, $0x38;
	[tilespmem:$0x1CE90] =	vst v63  }
0x1e: {  	_ =	swait.ge [sflag:s14], $0x9640  }
0x1f: {  	[sflag:s14] =	ssyncset.done $0x0  }
0x20: {  	[sflag:s14] =	ssyncadd.s32 $0xFFFF69C0  }
0x21: {  	_ =	swait.ge [sflag:s14], $0x2000  }
0x22: {  	[sflag:s14] =	ssyncset.done $0x0  }
0x23: {  	[sflag:s14] =	ssyncadd.s32 $0xFFFFE000  }
0x24: {  	_ =	swait.ge [sflag:s14], $0x1  }
0x25: {  	s26 =	simm.s32 $0x16CC0;
	[sflag:s14] =	ssyncset.done $0x0  }
0x26: {  	s24 =	simm.s32 $0xFFFFFFF8;
	s25 =	simm.s32 $0x12CC0;
	[sflag:s14] =	ssyncadd.s32 $0xFFFFFFFF  }
.LBB2_2:
0x27: {  	v0 =	vld [tilespmem:s25+$0xFFFFFFC0];
	_ =	sdelay $0x7  }
0x28: {  	v0 =	vld.idx.msk [tilespmem:v0+s2+$0x0], $0xffff;
	_ =	sdelay $0x4  }
0x29: {  	[tilespmem:s26+$0xFFFFFFC0] =	vst v0  }
0x2a: {  	v0 =	vld [tilespmem:s25+$0xFFFFFFD0];
	_ =	sdelay $0x7  }
0x2b: {  	v0 =	vld.idx.msk [tilespmem:v0+s2+$0x0], $0xffff;
	_ =	sdelay $0x4  }
0x2c: {  	[tilespmem:s26+$0xFFFFFFD0] =	vst v0  }
0x2d: {  	v0 =	vld [tilespmem:s25+$0xFFFFFFE0];
	_ =	sdelay $0x7  }
0x2e: {  	v0 =	vld.idx.msk [tilespmem:v0+s2+$0x0], $0xffff;
	_ =	sdelay $0x4  }
0x2f: {  	[tilespmem:s26+$0xFFFFFFE0] =	vst v0  }
0x30: {  	v0 =	vld [tilespmem:s25+$0xFFFFFFF0];
	_ =	sdelay $0x7  }
0x31: {  	v0 =	vld.idx.msk [tilespmem:v0+s2+$0x0], $0xffff;
	_ =	sdelay $0x4  }
0x32: {  	[tilespmem:s26+$0xFFFFFFF0] =	vst v0  }
0x33: {  	v0 =	vld [tilespmem:s25+$0x0];
	_ =	sdelay $0x7  }
0x34: {  	v0 =	vld.idx.msk [tilespmem:v0+s2+$0x0], $0xffff;
	_ =	sdelay $0x4  }
0x35: {  	[tilespmem:s26+$0x0] =	vst v0  }
0x36: {  	v0 =	vld [tilespmem:s25+$0x10];
	_ =	sdelay $0x7  }
0x37: {  	v0 =	vld.idx.msk [tilespmem:v0+s2+$0x0], $0xffff;
	_ =	sdelay $0x4  }
0x38: {  	[tilespmem:s26+$0x10] =	vst v0  }
0x39: {  	v0 =	vld [tilespmem:s25+$0x20];
	_ =	sdelay $0x7  }
0x3a: {  	v0 =	vld.idx.msk [tilespmem:v0+s2+$0x0], $0xffff;
	_ =	sdelay $0x4  }
0x3b: {  	[tilespmem:s26+$0x20] =	vst v0  }
0x3c: {  	v0 =	vld [tilespmem:s25+$0x30];
	_ =	sdelay $0x6  }
0x3d: {  	s24 =	sadd.s32 $0x8, s24  }
0x3e: {  	p1 =	slt.u32 s24, $0x1F8;
	v0 =	vld.idx.msk [tilespmem:v0+s2+$0x0], $0xffff  }
.Ltmp0:
0x3f: {  	_ = 	snop;
	(pc) =	sbr.rel @p1 .LBB2_2-.Ltmp0, $2  }
0x40: {  	_ =	sdelay $0x2  }
0x41: {  	s25 =	sadd.s32 $0x80, s25;
	[tilespmem:s26+$0x30] =	vst v0;
	s26 =	sadd.s32 $0x80, s26  }
.Ltmp1:
0x42: {  	(pc) =	sbr.rel @p0 .LBB2_6-.Ltmp1, $1  }
0x43: {  	_ =	sdelay $0x3  }
0x44: {  	_ =	swait.ge [sflag:s15], $0x9640  }
0x45: {  	[sflag:s15] =	ssyncset.done $0x0  }
0x46: {  	[sflag:s15] =	ssyncadd.s32 $0xFFFF69C0  }
0x47: {  	_ =	swait.ge [sflag:s15], $0x2000  }
0x48: {  	s24 =	simm.s32 $0xFFFFFFF8;
	[sflag:s15] =	ssyncset.done $0x0  }
0x49: {  	s25 =	simm.s32 $0x14CC0;
	s26 =	simm.s32 $0x16CC0;
	[sflag:s15] =	ssyncadd.s32 $0xFFFFE000  }
.LBB2_5:
0x4a: {  	v0 =	vld [tilespmem:s25+$0xFFFFFFC0];
	_ =	sdelay $0x6  }
0x4b: {  	v1 =	vld [tilespmem:s26+$0xFFFFFFC0]  }
0x4c: {  	v0 =	vld.idx.msk [tilespmem:v0+s16+$0x0], $0xffff;
	_ =	sdelay $0x4  }
0x4d: {  	v0 =	vadd.f32 v1, v0;
	_ =	sdelay $0x1  }
0x4e: {  	[tilespmem:s26+$0xFFFFFFC0] =	vst v0  }
0x4f: {  	v0 =	vld [tilespmem:s25+$0xFFFFFFD0];
	_ =	sdelay $0x6  }
0x50: {  	v57 =	vld [tilespmem:s26+$0xFFFFFFD0]  }
0x51: {  	v0 =	vld.idx.msk [tilespmem:v0+s16+$0x0], $0xffff;
	_ =	sdelay $0x4  }
0x52: {  	v0 =	vadd.f32 v57, v0;
	_ =	sdelay $0x1  }
0x53: {  	[tilespmem:s26+$0xFFFFFFD0] =	vst v0  }
0x54: {  	v0 =	vld [tilespmem:s25+$0xFFFFFFE0];
	_ =	sdelay $0x6  }
0x55: {  	v58 =	vld [tilespmem:s26+$0xFFFFFFE0]  }
0x56: {  	v0 =	vld.idx.msk [tilespmem:v0+s16+$0x0], $0xffff;
	_ =	sdelay $0x4  }
0x57: {  	v0 =	vadd.f32 v58, v0;
	_ =	sdelay $0x1  }
0x58: {  	[tilespmem:s26+$0xFFFFFFE0] =	vst v0  }
0x59: {  	v0 =	vld [tilespmem:s25+$0xFFFFFFF0];
	_ =	sdelay $0x6  }
0x5a: {  	v59 =	vld [tilespmem:s26+$0xFFFFFFF0]  }
0x5b: {  	v0 =	vld.idx.msk [tilespmem:v0+s16+$0x0], $0xffff;
	_ =	sdelay $0x4  }
0x5c: {  	v0 =	vadd.f32 v59, v0;
	_ =	sdelay $0x1  }
0x5d: {  	[tilespmem:s26+$0xFFFFFFF0] =	vst v0  }
0x5e: {  	v0 =	vld [tilespmem:s25+$0x0];
	_ =	sdelay $0x6  }
0x5f: {  	v60 =	vld [tilespmem:s26+$0x0]  }
0x60: {  	v0 =	vld.idx.msk [tilespmem:v0+s16+$0x0], $0xffff;
	_ =	sdelay $0x4  }
0x61: {  	v0 =	vadd.f32 v60, v0;
	_ =	sdelay $0x1  }
0x62: {  	[tilespmem:s26+$0x0] =	vst v0  }
0x63: {  	v0 =	vld [tilespmem:s25+$0x10];
	_ =	sdelay $0x6  }
0x64: {  	v61 =	vld [tilespmem:s26+$0x10]  }
0x65: {  	v0 =	vld.idx.msk [tilespmem:v0+s16+$0x0], $0xffff;
	_ =	sdelay $0x4  }
0x66: {  	v0 =	vadd.f32 v61, v0;
	_ =	sdelay $0x1  }
0x67: {  	[tilespmem:s26+$0x10] =	vst v0  }
0x68: {  	v0 =	vld [tilespmem:s25+$0x20];
	_ =	sdelay $0x6  }
0x69: {  	v62 =	vld [tilespmem:s26+$0x20]  }
0x6a: {  	v0 =	vld.idx.msk [tilespmem:v0+s16+$0x0], $0xffff;
	_ =	sdelay $0x4  }
0x6b: {  	v0 =	vadd.f32 v62, v0;
	_ =	sdelay $0x1  }
0x6c: {  	[tilespmem:s26+$0x20] =	vst v0  }
0x6d: {  	v0 =	vld [tilespmem:s25+$0x30];
	_ =	sdelay $0x6  }
0x6e: {  	v63 =	vld [tilespmem:s26+$0x30]  }
0x6f: {  	v0 =	vld.idx.msk [tilespmem:v0+s16+$0x0], $0xffff  }
0x70: {  	s24 =	sadd.s32 $0x8, s24  }
0x71: {  	p1 =	slt.u32 s24, $0x1F8  }
.Ltmp2:
0x72: {  	_ = 	snop;
	(pc) =	sbr.rel @p1 .LBB2_5-.Ltmp2, $3  }
0x73: {  	_ = 	snop  }
0x74: {  	v0 =	vadd.f32 v63, v0;
	_ =	sdelay $0x1  }
0x75: {  	s25 =	sadd.s32 $0x80, s25;
	[tilespmem:s26+$0x30] =	vst v0;
	s26 =	sadd.s32 $0x80, s26  }
.LBB2_6:
0x76: {  	[spmem:s8] =	stream.linear.scatter [tilespmem:s17], [sflag:$0x3], $0x2000, $0x38;
	[tilespmem:$0x1CE90] =	vst v63  }
0x77: {  	_ =	swait.ge [sflag:s18], $0x2000  }
0x78: {  	[sflag:s18] =	ssyncset.done $0x0  }
0x79: {  	[sflag:s18] =	ssyncadd.s32 $0xFFFFE000  }
0x7a: {  	[bflag:$0x0] =	sbarrier.arrive $0xFFFF  }
0x7b: {  	[tilespmem:s21], [sflag:$0x3] =	stream.strided.gather [spmem:s9], $0x2000, s20, s19, $0x38;
	[tilespmem:$0x1CE90] =	vst v63  }
0x7c: {  	_ =	swait.ge [sflag:s18], $0x2000  }
0x7d: {  	[sflag:s18] =	ssyncset.done $0x0  }
0x7e: {  	[sflag:s18] =	ssyncadd.s32 $0xFFFFE000  }
0x7f: {  	s24 =	simm.s32 $0x19C80;
	v0 =	vld.msk [tilespmem:$0x1AE80 ss:$0x0], $0xffff  }
0x80: {  	v1 =	vld [tilespmem:s24+$0xFFFFF000];
	_ =	sdelay $0x1  }
0x81: {  	v2 =	vld [tilespmem:s24+$0xFFFFF200];
	_ =	sdelay $0x1  }
0x82: {  	v3 =	vld [tilespmem:s24+$0xFFFFF400]  }
0x83: {  	v1 =	vadd.f32 v1, v0  }
0x84: {  	v4 =	vld [tilespmem:s24+$0xFFFFF600]  }
0x85: {  	v1 =	vadd.f32 v2, v1  }
0x86: {  	v2 =	vld [tilespmem:s24+$0xFFFFF800]  }
0x87: {  	v1 =	vadd.f32 v3, v1  }
0x88: {  	v3 =	vld [tilespmem:s24+$0xFFFFFA00]  }
0x89: {  	v1 =	vadd.f32 v4, v1  }
0x8a: {  	v45 =	vld [tilespmem:s24+$0xFFFFFC00]  }
0x8b: {  	v1 =	vadd.f32 v2, v1  }
0x8c: {  	v2 =	vld [tilespmem:s24+$0xFFFFFE00]  }
0x8d: {  	v1 =	vadd.f32 v3, v1  }
0x8e: {  	v3 =	vld [tilespmem:s24+$0x0]  }
0x8f: {  	v1 =	vadd.f32 v45, v1  }
0x90: {  	v46 =	vld [tilespmem:s24+$0x200]  }
0x91: {  	v1 =	vadd.f32 v2, v1  }
0x92: {  	v2 =	vld [tilespmem:s24+$0x400]  }
0x93: {  	v1 =	vadd.f32 v3, v1  }
0x94: {  	v3 =	vld [tilespmem:s24+$0x600]  }
0x95: {  	v1 =	vadd.f32 v46, v1  }
0x96: {  	v47 =	vld [tilespmem:s24+$0x800]  }
0x97: {  	v1 =	vadd.f32 v2, v1  }
0x98: {  	v2 =	vld [tilespmem:s24+$0xA00]  }
0x99: {  	v1 =	vadd.f32 v3, v1  }
0x9a: {  	v3 =	vld [tilespmem:s24+$0xC00]  }
0x9b: {  	v1 =	vadd.f32 v47, v1  }
0x9c: {  	v48 =	vld [tilespmem:s24+$0xE00]  }
0x9d: {  	v1 =	vadd.f32 v2, v1;
	_ =	sdelay $0x1  }
0x9e: {  	v1 =	vadd.f32 v3, v1;
	_ =	sdelay $0x1  }
0x9f: {  	v1 =	vadd.f32 v48, v1  }
0xa0: {  	s25 =	simm.s32 $0x1ACA0  }
0xa1: {  	[tilespmem:s25+$0xFFFFFFE0] =	vst v1  }
0xa2: {  	v1 =	vld [tilespmem:s24+$0xFFFFF010];
	_ =	sdelay $0x1  }
0xa3: {  	v2 =	vld [tilespmem:s24+$0xFFFFF210];
	_ =	sdelay $0x1  }
0xa4: {  	v3 =	vld [tilespmem:s24+$0xFFFFF410]  }
0xa5: {  	v1 =	vadd.f32 v1, v0  }
0xa6: {  	v49 =	vld [tilespmem:s24+$0xFFFFF610]  }
0xa7: {  	v1 =	vadd.f32 v2, v1  }
0xa8: {  	v2 =	vld [tilespmem:s24+$0xFFFFF810]  }
0xa9: {  	v1 =	vadd.f32 v3, v1  }
0xaa: {  	v3 =	vld [tilespmem:s24+$0xFFFFFA10]  }
0xab: {  	v1 =	vadd.f32 v49, v1  }
0xac: {  	v50 =	vld [tilespmem:s24+$0xFFFFFC10]  }
0xad: {  	v1 =	vadd.f32 v2, v1  }
0xae: {  	v2 =	vld [tilespmem:s24+$0xFFFFFE10]  }
0xaf: {  	v1 =	vadd.f32 v3, v1  }
0xb0: {  	v3 =	vld [tilespmem:s24+$0x10]  }
0xb1: {  	v1 =	vadd.f32 v50, v1  }
0xb2: {  	v51 =	vld [tilespmem:s24+$0x210]  }
0xb3: {  	v1 =	vadd.f32 v2, v1  }
0xb4: {  	v2 =	vld [tilespmem:s24+$0x410]  }
0xb5: {  	v1 =	vadd.f32 v3, v1  }
0xb6: {  	v3 =	vld [tilespmem:s24+$0x610]  }
0xb7: {  	v1 =	vadd.f32 v51, v1  }
0xb8: {  	v52 =	vld [tilespmem:s24+$0x810]  }
0xb9: {  	v1 =	vadd.f32 v2, v1  }
0xba: {  	v2 =	vld [tilespmem:s24+$0xA10]  }
0xbb: {  	v1 =	vadd.f32 v3, v1  }
0xbc: {  	v3 =	vld [tilespmem:s24+$0xC10]  }
0xbd: {  	v1 =	vadd.f32 v52, v1  }
0xbe: {  	v53 =	vld [tilespmem:s24+$0xE10]  }
0xbf: {  	v1 =	vadd.f32 v2, v1;
	_ =	sdelay $0x1  }
0xc0: {  	v1 =	vadd.f32 v3, v1;
	_ =	sdelay $0x1  }
0xc1: {  	v1 =	vadd.f32 v53, v1;
	_ =	sdelay $0x1  }
0xc2: {  	[tilespmem:s25+$0xFFFFFFF0] =	vst v1  }
0xc3: {  	v1 =	vld [tilespmem:s24+$0xFFFFF020];
	_ =	sdelay $0x1  }
0xc4: {  	v2 =	vld [tilespmem:s24+$0xFFFFF220];
	_ =	sdelay $0x1  }
0xc5: {  	v3 =	vld [tilespmem:s24+$0xFFFFF420]  }
0xc6: {  	v1 =	vadd.f32 v1, v0  }
0xc7: {  	v54 =	vld [tilespmem:s24+$0xFFFFF620]  }
0xc8: {  	v1 =	vadd.f32 v2, v1  }
0xc9: {  	v2 =	vld [tilespmem:s24+$0xFFFFF820]  }
0xca: {  	v1 =	vadd.f32 v3, v1  }
0xcb: {  	v3 =	vld [tilespmem:s24+$0xFFFFFA20]  }
0xcc: {  	v1 =	vadd.f32 v54, v1  }
0xcd: {  	v55 =	vld [tilespmem:s24+$0xFFFFFC20]  }
0xce: {  	v1 =	vadd.f32 v2, v1  }
0xcf: {  	v2 =	vld [tilespmem:s24+$0xFFFFFE20]  }
0xd0: {  	v1 =	vadd.f32 v3, v1  }
0xd1: {  	v3 =	vld [tilespmem:s24+$0x20]  }
0xd2: {  	v1 =	vadd.f32 v55, v1  }
0xd3: {  	v56 =	vld [tilespmem:s24+$0x220]  }
0xd4: {  	v1 =	vadd.f32 v2, v1  }
0xd5: {  	v2 =	vld [tilespmem:s24+$0x420]  }
0xd6: {  	v1 =	vadd.f32 v3, v1  }
0xd7: {  	v3 =	vld [tilespmem:s24+$0x620]  }
0xd8: {  	v1 =	vadd.f32 v56, v1  }
0xd9: {  	v57 =	vld [tilespmem:s24+$0x820]  }
0xda: {  	v1 =	vadd.f32 v2, v1  }
0xdb: {  	v2 =	vld [tilespmem:s24+$0xA20]  }
0xdc: {  	v1 =	vadd.f32 v3, v1  }
0xdd: {  	v3 =	vld [tilespmem:s24+$0xC20]  }
0xde: {  	v1 =	vadd.f32 v57, v1  }
0xdf: {  	v58 =	vld [tilespmem:s24+$0xE20]  }
0xe0: {  	v1 =	vadd.f32 v2, v1;
	_ =	sdelay $0x1  }
0xe1: {  	v1 =	vadd.f32 v3, v1;
	_ =	sdelay $0x1  }
0xe2: {  	v1 =	vadd.f32 v58, v1;
	_ =	sdelay $0x1  }
0xe3: {  	[tilespmem:s25+$0x0] =	vst v1  }
0xe4: {  	v1 =	vld [tilespmem:s24+$0xFFFFF030];
	_ =	sdelay $0x1  }
0xe5: {  	v2 =	vld [tilespmem:s24+$0xFFFFF230];
	_ =	sdelay $0x1  }
0xe6: {  	v3 =	vld [tilespmem:s24+$0xFFFFF430]  }
0xe7: {  	v1 =	vadd.f32 v1, v0  }
0xe8: {  	v59 =	vld [tilespmem:s24+$0xFFFFF630]  }
0xe9: {  	v1 =	vadd.f32 v2, v1  }
0xea: {  	v2 =	vld [tilespmem:s24+$0xFFFFF830]  }
0xeb: {  	v1 =	vadd.f32 v3, v1  }
0xec: {  	v3 =	vld [tilespmem:s24+$0xFFFFFA30]  }
0xed: {  	v1 =	vadd.f32 v59, v1  }
0xee: {  	v60 =	vld [tilespmem:s24+$0xFFFFFC30]  }
0xef: {  	v1 =	vadd.f32 v2, v1  }
0xf0: {  	v2 =	vld [tilespmem:s24+$0xFFFFFE30]  }
0xf1: {  	v1 =	vadd.f32 v3, v1  }
0xf2: {  	v3 =	vld [tilespmem:s24+$0x30]  }
0xf3: {  	v1 =	vadd.f32 v60, v1  }
0xf4: {  	v61 =	vld [tilespmem:s24+$0x230]  }
0xf5: {  	v1 =	vadd.f32 v2, v1  }
0xf6: {  	v2 =	vld [tilespmem:s24+$0x430]  }
0xf7: {  	v1 =	vadd.f32 v3, v1  }
0xf8: {  	v3 =	vld [tilespmem:s24+$0x630]  }
0xf9: {  	v1 =	vadd.f32 v61, v1  }
0xfa: {  	v62 =	vld [tilespmem:s24+$0x830]  }
0xfb: {  	v1 =	vadd.f32 v2, v1  }
0xfc: {  	v2 =	vld [tilespmem:s24+$0xA30]  }
0xfd: {  	v1 =	vadd.f32 v3, v1  }
0xfe: {  	v3 =	vld [tilespmem:s24+$0xC30]  }
0xff: {  	v1 =	vadd.f32 v62, v1  }
0x100: {  	v63 =	vld [tilespmem:s24+$0xE30]  }
0x101: {  	v1 =	vadd.f32 v2, v1;
	_ =	sdelay $0x1  }
0x102: {  	v1 =	vadd.f32 v3, v1;
	_ =	sdelay $0x1  }
0x103: {  	s26 =	simm.s32 $0x0;
	v1 =	vadd.f32 v63, v1  }
.LBB2_7:
0x104: {  	_ = 	snop  }
0x105: {  	s26 =	sadd.s32 $0x4, s26;
	s24 =	sadd.s32 $0x40, s24;
	[tilespmem:s25+$0x10] =	vst v1;
	s25 =	sadd.s32 $0x40, s25  }
0x106: {  	p1 =	slt.u32 s26, $0x1C;
	v1 =	vld [tilespmem:s24+$0xFFFFF000];
	_ =	sdelay $0x1  }
0x107: {  	v2 =	vld [tilespmem:s24+$0xFFFFF200];
	_ =	sdelay $0x1  }
0x108: {  	v3 =	vld [tilespmem:s24+$0xFFFFF400]  }
0x109: {  	v1 =	vadd.f32 v1, v0  }
0x10a: {  	v4 =	vld [tilespmem:s24+$0xFFFFF600]  }
0x10b: {  	v1 =	vadd.f32 v2, v1  }
0x10c: {  	v2 =	vld [tilespmem:s24+$0xFFFFF800]  }
0x10d: {  	v1 =	vadd.f32 v3, v1  }
0x10e: {  	v3 =	vld [tilespmem:s24+$0xFFFFFA00]  }
0x10f: {  	v1 =	vadd.f32 v4, v1  }
0x110: {  	v4 =	vld [tilespmem:s24+$0xFFFFFC00]  }
0x111: {  	v1 =	vadd.f32 v2, v1  }
0x112: {  	v2 =	vld [tilespmem:s24+$0xFFFFFE00]  }
0x113: {  	v1 =	vadd.f32 v3, v1  }
0x114: {  	v3 =	vld [tilespmem:s24+$0x0]  }
0x115: {  	v1 =	vadd.f32 v4, v1  }
0x116: {  	v4 =	vld [tilespmem:s24+$0x200]  }
0x117: {  	v1 =	vadd.f32 v2, v1  }
0x118: {  	v2 =	vld [tilespmem:s24+$0x400]  }
0x119: {  	v1 =	vadd.f32 v3, v1  }
0x11a: {  	v3 =	vld [tilespmem:s24+$0x600]  }
0x11b: {  	v1 =	vadd.f32 v4, v1  }
0x11c: {  	v4 =	vld [tilespmem:s24+$0x800]  }
0x11d: {  	v1 =	vadd.f32 v2, v1  }
0x11e: {  	v2 =	vld [tilespmem:s24+$0xA00]  }
0x11f: {  	v1 =	vadd.f32 v3, v1  }
0x120: {  	v3 =	vld [tilespmem:s24+$0xC00]  }
0x121: {  	v1 =	vadd.f32 v4, v1  }
0x122: {  	v4 =	vld [tilespmem:s24+$0xE00]  }
0x123: {  	v1 =	vadd.f32 v2, v1;
	_ =	sdelay $0x1  }
0x124: {  	v1 =	vadd.f32 v3, v1;
	_ =	sdelay $0x1  }
0x125: {  	v1 =	vadd.f32 v4, v1;
	_ =	sdelay $0x1  }
0x126: {  	[tilespmem:s25+$0xFFFFFFE0] =	vst v1  }
0x127: {  	v1 =	vld [tilespmem:s24+$0xFFFFF010];
	_ =	sdelay $0x1  }
0x128: {  	v2 =	vld [tilespmem:s24+$0xFFFFF210];
	_ =	sdelay $0x1  }
0x129: {  	v3 =	vld [tilespmem:s24+$0xFFFFF410]  }
0x12a: {  	v1 =	vadd.f32 v1, v0  }
0x12b: {  	v4 =	vld [tilespmem:s24+$0xFFFFF610]  }
0x12c: {  	v1 =	vadd.f32 v2, v1  }
0x12d: {  	v2 =	vld [tilespmem:s24+$0xFFFFF810]  }
0x12e: {  	v1 =	vadd.f32 v3, v1  }
0x12f: {  	v3 =	vld [tilespmem:s24+$0xFFFFFA10]  }
0x130: {  	v1 =	vadd.f32 v4, v1  }
0x131: {  	v4 =	vld [tilespmem:s24+$0xFFFFFC10]  }
0x132: {  	v1 =	vadd.f32 v2, v1  }
0x133: {  	v2 =	vld [tilespmem:s24+$0xFFFFFE10]  }
0x134: {  	v1 =	vadd.f32 v3, v1  }
0x135: {  	v3 =	vld [tilespmem:s24+$0x10]  }
0x136: {  	v1 =	vadd.f32 v4, v1  }
0x137: {  	v4 =	vld [tilespmem:s24+$0x210]  }
0x138: {  	v1 =	vadd.f32 v2, v1  }
0x139: {  	v2 =	vld [tilespmem:s24+$0x410]  }
0x13a: {  	v1 =	vadd.f32 v3, v1  }
0x13b: {  	v3 =	vld [tilespmem:s24+$0x610]  }
0x13c: {  	v1 =	vadd.f32 v4, v1  }
0x13d: {  	v4 =	vld [tilespmem:s24+$0x810]  }
0x13e: {  	v1 =	vadd.f32 v2, v1  }
0x13f: {  	v2 =	vld [tilespmem:s24+$0xA10]  }
0x140: {  	v1 =	vadd.f32 v3, v1  }
0x141: {  	v3 =	vld [tilespmem:s24+$0xC10]  }
0x142: {  	v1 =	vadd.f32 v4, v1  }
0x143: {  	v4 =	vld [tilespmem:s24+$0xE10]  }
0x144: {  	v1 =	vadd.f32 v2, v1;
	_ =	sdelay $0x1  }
0x145: {  	v1 =	vadd.f32 v3, v1;
	_ =	sdelay $0x1  }
0x146: {  	v1 =	vadd.f32 v4, v1;
	_ =	sdelay $0x1  }
0x147: {  	[tilespmem:s25+$0xFFFFFFF0] =	vst v1  }
0x148: {  	v1 =	vld [tilespmem:s24+$0xFFFFF020];
	_ =	sdelay $0x1  }
0x149: {  	v2 =	vld [tilespmem:s24+$0xFFFFF220];
	_ =	sdelay $0x1  }
0x14a: {  	v3 =	vld [tilespmem:s24+$0xFFFFF420]  }
0x14b: {  	v1 =	vadd.f32 v1, v0  }
0x14c: {  	v4 =	vld [tilespmem:s24+$0xFFFFF620]  }
0x14d: {  	v1 =	vadd.f32 v2, v1  }
0x14e: {  	v2 =	vld [tilespmem:s24+$0xFFFFF820]  }
0x14f: {  	v1 =	vadd.f32 v3, v1  }
0x150: {  	v3 =	vld [tilespmem:s24+$0xFFFFFA20]  }
0x151: {  	v1 =	vadd.f32 v4, v1  }
0x152: {  	v4 =	vld [tilespmem:s24+$0xFFFFFC20]  }
0x153: {  	v1 =	vadd.f32 v2, v1  }
0x154: {  	v2 =	vld [tilespmem:s24+$0xFFFFFE20]  }
0x155: {  	v1 =	vadd.f32 v3, v1  }
0x156: {  	v3 =	vld [tilespmem:s24+$0x20]  }
0x157: {  	v1 =	vadd.f32 v4, v1  }
0x158: {  	v4 =	vld [tilespmem:s24+$0x220]  }
0x159: {  	v1 =	vadd.f32 v2, v1  }
0x15a: {  	v2 =	vld [tilespmem:s24+$0x420]  }
0x15b: {  	v1 =	vadd.f32 v3, v1  }
0x15c: {  	v3 =	vld [tilespmem:s24+$0x620]  }
0x15d: {  	v1 =	vadd.f32 v4, v1  }
0x15e: {  	v4 =	vld [tilespmem:s24+$0x820]  }
0x15f: {  	v1 =	vadd.f32 v2, v1  }
0x160: {  	v2 =	vld [tilespmem:s24+$0xA20]  }
0x161: {  	v1 =	vadd.f32 v3, v1  }
0x162: {  	v3 =	vld [tilespmem:s24+$0xC20]  }
0x163: {  	v1 =	vadd.f32 v4, v1  }
0x164: {  	v4 =	vld [tilespmem:s24+$0xE20]  }
0x165: {  	v1 =	vadd.f32 v2, v1;
	_ =	sdelay $0x1  }
0x166: {  	v1 =	vadd.f32 v3, v1;
	_ =	sdelay $0x1  }
0x167: {  	v1 =	vadd.f32 v4, v1;
	_ =	sdelay $0x1  }
0x168: {  	[tilespmem:s25+$0x0] =	vst v1  }
0x169: {  	v1 =	vld [tilespmem:s24+$0xFFFFF030]  }
0x16a: {  	v2 =	vld [tilespmem:s24+$0xFFFFF230]  }
0x16b: {  	v3 =	vld [tilespmem:s24+$0xFFFFF430]  }
0x16c: {  	v4 =	vld [tilespmem:s24+$0xFFFFF630]  }
0x16d: {  	v5 =	vld [tilespmem:s24+$0xFFFFF830]  }
0x16e: {  	v1 =	vadd.f32 v1, v0;
	v6 =	vld [tilespmem:s24+$0xFFFFFA30]  }
0x16f: {  	v7 =	vld [tilespmem:s24+$0xFFFFFC30]  }
0x170: {  	v1 =	vadd.f32 v2, v1;
	v2 =	vld [tilespmem:s24+$0xFFFFFE30]  }
0x171: {  	v8 =	vld [tilespmem:s24+$0x30]  }
0x172: {  	v1 =	vadd.f32 v3, v1;
	v3 =	vld [tilespmem:s24+$0x230]  }
0x173: {  	v9 =	vld [tilespmem:s24+$0x430]  }
0x174: {  	v1 =	vadd.f32 v4, v1;
	v4 =	vld [tilespmem:s24+$0x630]  }
0x175: {  	v10 =	vld [tilespmem:s24+$0x830]  }
0x176: {  	v1 =	vadd.f32 v5, v1;
	v5 =	vld [tilespmem:s24+$0xA30]  }
0x177: {  	v11 =	vld [tilespmem:s24+$0xC30]  }
0x178: {  	v1 =	vadd.f32 v6, v1;
	v6 =	vld [tilespmem:s24+$0xE30];
	_ =	sdelay $0x1  }
0x179: {  	v1 =	vadd.f32 v7, v1;
	_ =	sdelay $0x1  }
0x17a: {  	v1 =	vadd.f32 v2, v1;
	_ =	sdelay $0x1  }
0x17b: {  	v1 =	vadd.f32 v8, v1;
	_ =	sdelay $0x1  }
0x17c: {  	v1 =	vadd.f32 v3, v1;
	_ =	sdelay $0x1  }
0x17d: {  	v1 =	vadd.f32 v9, v1;
	_ =	sdelay $0x1  }
0x17e: {  	v1 =	vadd.f32 v4, v1;
	_ =	sdelay $0x1  }
0x17f: {  	v1 =	vadd.f32 v10, v1;
	_ =	sdelay $0x1  }
.Ltmp3:
0x180: {  	v1 =	vadd.f32 v5, v1;
	(pc) =	sbr.rel @p1 .LBB2_7-.Ltmp3, $3  }
0x181: {  	_ = 	snop  }
0x182: {  	v1 =	vadd.f32 v11, v1;
	_ =	sdelay $0x1  }
0x183: {  	v1 =	vadd.f32 v6, v1  }
0x184: {  	s23 =	sadd.s32 $0x1, s23  }
0x185: {  	p1 =	sne.s32 s23, s11  }
.Ltmp4:
0x186: {  	[tilespmem:s25+$0x10] =	vst v1;
	(pc) =	sbr.rel @p1 .LBB2_1-.Ltmp4, $4  }
0x187: {  	[hbm4b:s10+s2] =	stream.linear.scatter [tilespmem:s22], [sflag:$0x3], $0x200, $0x38;
	[tilespmem:$0x1CE90] =	vst v63  }
0x188: {  	_ =	swait.ge [sflag:s18], $0x200  }
0x189: {  	[sflag:s18] =	ssyncset.done $0x0  }
0x18a: {  	[sflag:s18] =	ssyncadd.s32 $0xFFFFFE00  }
0x18b: {  	_ =	sfence.sel $0x180000  }
0x18c: {  	[bflag:$0x0] =	sbarrier.arrive $0xFFFF  }
0x18d: {  	p0 =	sne.s32 s3, $0x0;
	_ =	strace $0x90000047  }
0x18e: {  	s0 =	sadd.s32 @!p0 $0x100000, s0;
	[bflag:$0x2] =	sbarrier.arrive $0xFFFF  }
0x18f: {  	[sflag:s0] =	ssyncadd.tile.s32 @!p0 $0x1;
	_ =	shalt  }
.Lfunc_end2:
_tile_overlayer_lowered:
.L_overlay_start_2:
0x190: {  	(tag) =	ssettag $0x2  }
0x191: {  	s0 =	rddreg [dreg:$0x0];
	s2 =	stileid.u32  }
0x192: {  	s1 =	rddreg [dreg:$0x1];
	p0 =	sne.s32 s2, $0x0  }
0x193: {  	s3 =	rddreg [dreg:$0x2];
	[bflag:$0x3] =	sbarrier.arrive $0xFFFF;
	s2 =	simm.s32 @!p0 $0x1C03  }
0x194: {  	[timem:s3], [sflag:s2] =	dma.local @!p0 [hbm:s0], s1  }
0x195: {  	s0 =	simm.s32 @!p0 $0x3  }
0x196: {  	_ =	swait.ge @!p0 [sflag:s0], s1  }
0x197: {  	s1 =	ssub.s32 @!p0 $0x0, s1;
	[sflag:s0] =	ssyncset.done @!p0 $0x0  }
0x198: {  	[sflag:s0] =	ssyncadd.s32 @!p0 s1  }
0x199: {  	[bflag:$0x3] =	sbarrier.arrive $0xFFFF  }
0x19a: {  	_ =	shalt  }

</sc_bundles>
